<compile_context>
chip_gen: v7x
topology: tpu7x:2x2x1
jax: 0.10.2.dev20260603
libtpu: 0.0.44.dev20260713+nightly
codegen_flags: <defaults>
</compile_context>

<pallas_src>
import jax
import jax.numpy as jnp
from jax import lax
from jax.experimental import pallas as pl
from jax.experimental.pallas import tpu as pltpu
from jax.experimental.pallas import tpu_sc as plsc

VOCAB = 1000
B_DIM = 1024
NC, NS = 2, 16
NW = NC * NS
VCH = 40
KCH = VOCAB // VCH
LANES = 16
NGROUPS = B_DIM // LANES


def _sc_onehot_t(ids_hbm, zeros_hbm, out_hbm,
                 row0, row1, buf0, buf1, sem0, sem1):
    L = ids_hbm.shape[0]
    n_slabs = L * KCH
    wid = lax.axis_index("s") * NC + lax.axis_index("c")

    pltpu.sync_copy(zeros_hbm, buf0)
    pltpu.sync_copy(zeros_hbm, buf1)

    iota = lax.iota(jnp.int32, LANES)
    ones_v = jnp.ones((LANES,), jnp.float32)
    zeros_v = jnp.zeros((LANES,), jnp.float32)
    rows = (row0, row1)
    bufs = (buf0, buf1)
    sems = (sem0, sem1)

    def scatter(buf, row, v0, vals):
        @pl.loop(0, NGROUPS)
        def _g(i):
            idv = row[pl.ds(i * LANES, LANES)]
            m = (idv >= v0) & (idv < v0 + VCH)
            plsc.store_scatter(buf, [idv - v0, iota + i * LANES], vals, mask=m)

    def dma(b, s):
        l = s // KCH
        v0 = (s % KCH) * VCH
        return pltpu.make_async_copy(
            bufs[b], out_hbm.at[l, pl.ds(v0, VCH), :], sems[b])

    def load_row(b, s):
        pltpu.sync_copy(ids_hbm.at[s // KCH], rows[b])

    def set_and_send(b, s):
        load_row(b, s)
        scatter(bufs[b], rows[b], (s % KCH) * VCH, ones_v)
        dma(b, s).start()

    for b in range(2):
        s = wid + b * NW

        @pl.when(s < n_slabs)
        def _():
            set_and_send(b, s)

    @pl.loop(2, (n_slabs - 1) // NW + 1)
    def _steady(t):
        s = wid + t * NW
        b = t % 2

        @pl.when(s < n_slabs)
        def _():
            for bb in range(2):
                @pl.when(b == bb)
                def _():
                    dma(bb, s - 2 * NW).wait()
                    scatter(bufs[bb], rows[bb],
                            ((s - 2 * NW) % KCH) * VCH, zeros_v)
                    set_and_send(bb, s)

    for b in range(2):
        s = wid + b * NW

        @pl.when(s < n_slabs)
        def _():
            dma(b, s).wait()


def kernel(input_ids) -> jnp.ndarray:
    B, L = input_ids.shape
    ids_t = input_ids.T.astype(jnp.int32)
    zeros_blk = jnp.zeros((VCH, B_DIM), jnp.float32)

    run = pl.kernel(
        _sc_onehot_t,
        out_type=jax.ShapeDtypeStruct((L, VOCAB, B_DIM), jnp.float32),
        mesh=plsc.VectorSubcoreMesh(
            core_axis_name="c", subcore_axis_name="s",
            num_cores=NC, num_subcores=NS),
        compiler_params=pltpu.CompilerParams(
            needs_layout_passes=False, use_tc_tiling_on_sc=True),
        scratch_types=[
            pltpu.VMEM((B_DIM,), jnp.int32),
            pltpu.VMEM((B_DIM,), jnp.int32),
            pltpu.VMEM((VCH, B_DIM), jnp.float32),
            pltpu.VMEM((VCH, B_DIM), jnp.float32),
            pltpu.SemaphoreType.DMA,
            pltpu.SemaphoreType.DMA,
        ],
    )
    out = run(ids_t, zeros_blk)
    return out.transpose(2, 0, 1)

# --- scband reference (transcript-rebuilt; emitter-appended) ---
"""Pipeline reference for scband-one-hot-embedding-53858889891938 (READ-ONLY COPY).

The authoritative reference and input builder live on the scoring server;
editing this copy changes nothing except your own understanding.
"""

import jax, jax.numpy as jnp
import numpy as np

VOCAB_SIZE = 1000

def setup_inputs(seed: int = 0) -> dict:
    key = jax.random.key(seed)
    input_ids = jax.random.randint(key, (1024, 50), 0, VOCAB_SIZE, dtype=jnp.int64 if jax.config.jax_enable_x64 else jnp.int32)
    return {"input_ids": input_ids}

def reference(input_ids) -> jnp.ndarray:
    # Faithful translation: allocate zeros of shape (*ids.shape, V) and scatter 1.0
    # at the index positions along the last dim.
    out = jnp.zeros((*input_ids.shape, VOCAB_SIZE), dtype=jnp.float32)
    out = jnp.take_along_axis(out, input_ids[..., None], axis=-1)  # no-op read; keep scatter below
    out = jnp.zeros((*input_ids.shape, VOCAB_SIZE), dtype=jnp.float32)
    b = jnp.arange(input_ids.shape[0])[:, None, None]
    l = jnp.arange(input_ids.shape[1])[None, :, None]
    out = out.at[b, l, input_ids[..., None]].set(1.0)
    return out

if __name__ == "__main__":
    import jax
    _d = setup_inputs()
    print(jax.jit(kernel)(*tuple(_d.values())))

</pallas_src>

<mosaic_0001>
#map = affine_map<(d0, d1) -> (0, 0)>
#map1 = affine_map<(d0, d1) -> (0, 0, 0)>
module attributes {stable_mosaic.version = 14 : i64} {
  func.func @_sc_onehot_t(%arg0: i32, %arg1: i32, %arg2: memref<50x1024xi32, #tpu.memory_space<hbm>>, %arg3: memref<40x1024xf32, #tpu.memory_space<hbm>>, %arg4: memref<50x1000x1024xf32, #tpu.memory_space<hbm>>, %arg5: memref<1024xi32, #tpu.memory_space<vmem>>, %arg6: memref<1024xi32, #tpu.memory_space<vmem>>, %arg7: memref<40x1024xf32, #tpu.memory_space<vmem>>, %arg8: memref<40x1024xf32, #tpu.memory_space<vmem>>, %arg9: memref<!tpu.dma_semaphore, #tpu.memory_space<semaphore_mem>>, %arg10: memref<!tpu.dma_semaphore, #tpu.memory_space<semaphore_mem>>) attributes {dimension_semantics = [#tpu.dimension_semantics<core_parallel>, #tpu.dimension_semantics<subcore_parallel>], iteration_bounds = array<i64: 2, 16>, scalar_prefetch = 0 : i64, scratch_operands = 6 : i64, tpu.core_type = #tpu.core_type<sc_vector_subcore>, window_params = [{transform_indices = #map}, {transform_indices = #map}, {transform_indices = #map1}]} {
    %mul3A = arith.constant 2 : i32
    %mul3A_0 = arith.muli %arg1, %mul3A : i32
    %add3A = arith.addi %mul3A_0, %arg0 : i32
    "tpu.region"() ({
      %run_scoped3A = tpu.sem_alloc : memref<!tpu.dma_semaphore, #tpu.memory_space<semaphore_mem>>
      tpu.enqueue_dma source(%arg3 : memref<40x1024xf32, #tpu.memory_space<hbm>>) target(%arg7 : memref<40x1024xf32, #tpu.memory_space<vmem>>) target_semaphore(%run_scoped3A : memref<!tpu.dma_semaphore, #tpu.memory_space<semaphore_mem>>)
      tpu.wait_dma2 semaphore(%run_scoped3A : memref<!tpu.dma_semaphore, #tpu.memory_space<semaphore_mem>>) src(%arg3 : memref<40x1024xf32, #tpu.memory_space<hbm>>) dst(%arg7 : memref<40x1024xf32, #tpu.memory_space<vmem>>)
      tpu.yield
    }) : () -> ()
    "tpu.region"() ({
      %run_scoped3A = tpu.sem_alloc : memref<!tpu.dma_semaphore, #tpu.memory_space<semaphore_mem>>
      tpu.enqueue_dma source(%arg3 : memref<40x1024xf32, #tpu.memory_space<hbm>>) target(%arg8 : memref<40x1024xf32, #tpu.memory_space<vmem>>) target_semaphore(%run_scoped3A : memref<!tpu.dma_semaphore, #tpu.memory_space<semaphore_mem>>)
      tpu.wait_dma2 semaphore(%run_scoped3A : memref<!tpu.dma_semaphore, #tpu.memory_space<semaphore_mem>>) src(%arg3 : memref<40x1024xf32, #tpu.memory_space<hbm>>) dst(%arg8 : memref<40x1024xf32, #tpu.memory_space<vmem>>)
      tpu.yield
    }) : () -> ()
    %iota3A = tpu.iota {dimensions = array<i32: 0>} : vector<16xi32>
    %broadcast_in_dim3A = arith.constant 1.000000e+00 : f32
    %broadcast_in_dim3A_1 = vector.broadcast %broadcast_in_dim3A : f32 to vector<16xf32>
    %broadcast_in_dim3A_2 = arith.constant 0.000000e+00 : f32
    %broadcast_in_dim3A_3 = vector.broadcast %broadcast_in_dim3A_2 : f32 to vector<16xf32>
    %add3A_4 = arith.constant 0 : i32
    %add3A_5 = arith.addi %add3A, %add3A_4 : i32
    %lt3A = arith.constant 1250 : i32
    %lt3A_6 = arith.cmpi slt, %add3A_5, %lt3A : i32
    %convert_element_type3A = arith.extui %lt3A_6 : i1 to i32
    %cond3A = arith.constant 0 : i32
    %cond3A_7 = arith.cmpi ne, %convert_element_type3A, %cond3A : i32
    scf.if %cond3A_7 {
      %jit3A = arith.constant 25 : i32
      %div3A = arith.divsi %add3A_5, %jit3A : i32
      %sign3A = arith.constant 0 : i32
      %sign3A_33 = arith.cmpi sgt, %add3A_5, %sign3A : i32
      %sign3A_34 = arith.extui %sign3A_33 : i1 to i32
      %sign3A_35 = arith.constant 0 : i32
      %sign3A_36 = arith.cmpi slt, %add3A_5, %sign3A_35 : i32
      %sign3A_37 = arith.extui %sign3A_36 : i1 to i32
      %sign3A_38 = arith.subi %sign3A_34, %sign3A_37 : i32
      %sign3A_39 = arith.constant 0 : i32
      %sign3A_40 = arith.cmpi sgt, %jit3A, %sign3A_39 : i32
      %sign3A_41 = arith.extui %sign3A_40 : i1 to i32
      %sign3A_42 = arith.constant 0 : i32
      %sign3A_43 = arith.cmpi slt, %jit3A, %sign3A_42 : i32
      %sign3A_44 = arith.extui %sign3A_43 : i1 to i32
      %sign3A_45 = arith.subi %sign3A_41, %sign3A_44 : i32
      %ne3A = arith.cmpi ne, %sign3A_38, %sign3A_45 : i32
      %rem3A = arith.remsi %add3A_5, %jit3A : i32
      %ne3A_46 = arith.constant 0 : i32
      %ne3A_47 = arith.cmpi ne, %rem3A, %ne3A_46 : i32
      %and3A = arith.andi %ne3A, %ne3A_47 : i1
      %sub3A = arith.constant 1 : i32
      %sub3A_48 = arith.subi %div3A, %sub3A : i32
      %select_n3A = arith.select %and3A, %sub3A_48, %div3A : i32
      "tpu.region"() ({
        %run_scoped3A = tpu.sem_alloc : memref<!tpu.dma_semaphore, #tpu.memory_space<semaphore_mem>>
        %dma_start3A_118 = arith.constant 0 : i32
        %dma_start3A_119 = tpu.memref_slice %arg2[%select_n3A, %dma_start3A_118] : memref<50x1024xi32, #tpu.memory_space<hbm>> -> memref<1x1024xi32, #tpu.memory_space<hbm>>
        %dma_start3A_120 = tpu.memref_squeeze %dma_start3A_119 : memref<1x1024xi32, #tpu.memory_space<hbm>> -> memref<1024xi32, #tpu.memory_space<hbm>>
        %dma_start3A_121 = arith.constant 0 : i32
        %dma_start3A_122 = tpu.memref_slice %arg2[%select_n3A, %dma_start3A_121] : memref<50x1024xi32, #tpu.memory_space<hbm>> -> memref<1x1024xi32, #tpu.memory_space<hbm>>
        %dma_start3A_123 = tpu.memref_squeeze %dma_start3A_122 : memref<1x1024xi32, #tpu.memory_space<hbm>> -> memref<1024xi32, #tpu.memory_space<hbm>>
        tpu.enqueue_dma source(%dma_start3A_123 : memref<1024xi32, #tpu.memory_space<hbm>>) target(%arg5 : memref<1024xi32, #tpu.memory_space<vmem>>) target_semaphore(%run_scoped3A : memref<!tpu.dma_semaphore, #tpu.memory_space<semaphore_mem>>)
        %dma_wait3A = arith.constant 0 : i32
        %dma_wait3A_124 = tpu.memref_slice %arg2[%select_n3A, %dma_wait3A] : memref<50x1024xi32, #tpu.memory_space<hbm>> -> memref<1x1024xi32, #tpu.memory_space<hbm>>
        %dma_wait3A_125 = tpu.memref_squeeze %dma_wait3A_124 : memref<1x1024xi32, #tpu.memory_space<hbm>> -> memref<1024xi32, #tpu.memory_space<hbm>>
        %dma_wait3A_126 = arith.constant 0 : i32
        %dma_wait3A_127 = tpu.memref_slice %arg2[%select_n3A, %dma_wait3A_126] : memref<50x1024xi32, #tpu.memory_space<hbm>> -> memref<1x1024xi32, #tpu.memory_space<hbm>>
        %dma_wait3A_128 = tpu.memref_squeeze %dma_wait3A_127 : memref<1x1024xi32, #tpu.memory_space<hbm>> -> memref<1024xi32, #tpu.memory_space<hbm>>
        tpu.wait_dma2 semaphore(%run_scoped3A : memref<!tpu.dma_semaphore, #tpu.memory_space<semaphore_mem>>) src(%dma_wait3A_128 : memref<1024xi32, #tpu.memory_space<hbm>>) dst(%arg5 : memref<1024xi32, #tpu.memory_space<vmem>>)
        tpu.yield
      }) : () -> ()
      %jit3A_49 = arith.constant 25 : i32
      %eq3A = arith.constant 0 : i32
      %eq3A_50 = arith.cmpi eq, %jit3A_49, %eq3A : i32
      %jit3A_51 = arith.constant 1 : i32
      %select_n3A_52 = arith.select %eq3A_50, %jit3A_51, %jit3A_49 : i32
      %rem3A_53 = arith.remsi %add3A_5, %select_n3A_52 : i32
      %ne3A_54 = arith.constant 0 : i32
      %ne3A_55 = arith.cmpi ne, %rem3A_53, %ne3A_54 : i32
      %lt3A_56 = arith.constant 0 : i32
      %lt3A_57 = arith.cmpi slt, %rem3A_53, %lt3A_56 : i32
      %lt3A_58 = arith.constant 0 : i32
      %lt3A_59 = arith.cmpi slt, %select_n3A_52, %lt3A_58 : i32
      %ne3A_60 = arith.xori %lt3A_57, %lt3A_59 : i1
      %and3A_61 = arith.andi %ne3A_60, %ne3A_55 : i1
      %add3A_62 = arith.addi %rem3A_53, %select_n3A_52 : i32
      %select_n3A_63 = arith.select %and3A_61, %add3A_62, %rem3A_53 : i32
      %mul3A_64 = arith.constant 40 : i32
      %mul3A_65 = arith.muli %select_n3A_63, %mul3A_64 : i32
      %scan3A_66 = arith.constant 0 : i32
      %scan3A_67 = arith.constant 64 : i32
      %scan3A_68 = arith.addi %scan3A_66, %scan3A_67 : i32
      %scan3A_69 = arith.constant 1 : i32
      scf.for %scan3A_118 = %scan3A_66 to %scan3A_68 step %scan3A_69  : i32 {
        %mul3A_119 = arith.constant 1 : i32
        %mul3A_120 = arith.muli %scan3A_118, %mul3A_119 : i32
        %add3A_121 = arith.constant 0 : i32
        %add3A_122 = arith.addi %add3A_121, %mul3A_120 : i32
        %mul3A_123 = arith.constant 16 : i32
        %mul3A_124 = arith.muli %add3A_122, %mul3A_123 : i32
        %get3A = arith.index_cast %mul3A_124 : i32 to index
        %get3A_125 = tpu.vector_load %arg5[%get3A] {strides = array<i32>} : memref<1024xi32, #tpu.memory_space<vmem>>, vector<16xi32>,
        %ge3A = vector.broadcast %mul3A_65 : i32 to vector<16xi32>
        %ge3A_126 = arith.cmpi sge, %get3A_125, %ge3A : vector<16xi32>
        %add3A_127 = arith.constant 40 : i32
        %add3A_128 = arith.addi %mul3A_65, %add3A_127 : i32
        %lt3A_129 = vector.broadcast %add3A_128 : i32 to vector<16xi32>
        %lt3A_130 = arith.cmpi slt, %get3A_125, %lt3A_129 : vector<16xi32>
        %and3A_131 = arith.andi %ge3A_126, %lt3A_130 : vector<16xi1>
        %sub3A_132 = vector.broadcast %mul3A_65 : i32 to vector<16xi32>
        %sub3A_133 = arith.subi %get3A_125, %sub3A_132 : vector<16xi32>
        %mul3A_134 = arith.constant 16 : i32
        %mul3A_135 = arith.muli %add3A_122, %mul3A_134 : i32
        %add3A_136 = vector.broadcast %mul3A_135 : i32 to vector<16xi32>
        %add3A_137 = arith.addi %iota3A, %add3A_136 : vector<16xi32>
        tpu.vector_store_idx %arg7[%sub3A_133, %add3A_137], %broadcast_in_dim3A_1 masked %and3A_131 : memref<40x1024xf32, #tpu.memory_space<vmem>>[vector<16xi32>, vector<16xi32>], vector<16xf32>, vector<16xi1>
      }
      %scan3A_70 = arith.constant 64 : i32
      %jit3A_71 = arith.constant 25 : i32
      %div3A_72 = arith.divsi %add3A_5, %jit3A_71 : i32
      %sign3A_73 = arith.constant 0 : i32
      %sign3A_74 = arith.cmpi sgt, %add3A_5, %sign3A_73 : i32
      %sign3A_75 = arith.extui %sign3A_74 : i1 to i32
      %sign3A_76 = arith.constant 0 : i32
      %sign3A_77 = arith.cmpi slt, %add3A_5, %sign3A_76 : i32
      %sign3A_78 = arith.extui %sign3A_77 : i1 to i32
      %sign3A_79 = arith.subi %sign3A_75, %sign3A_78 : i32
      %sign3A_80 = arith.constant 0 : i32
      %sign3A_81 = arith.cmpi sgt, %jit3A_71, %sign3A_80 : i32
      %sign3A_82 = arith.extui %sign3A_81 : i1 to i32
      %sign3A_83 = arith.constant 0 : i32
      %sign3A_84 = arith.cmpi slt, %jit3A_71, %sign3A_83 : i32
      %sign3A_85 = arith.extui %sign3A_84 : i1 to i32
      %sign3A_86 = arith.subi %sign3A_82, %sign3A_85 : i32
      %ne3A_87 = arith.cmpi ne, %sign3A_79, %sign3A_86 : i32
      %rem3A_88 = arith.remsi %add3A_5, %jit3A_71 : i32
      %ne3A_89 = arith.constant 0 : i32
      %ne3A_90 = arith.cmpi ne, %rem3A_88, %ne3A_89 : i32
      %and3A_91 = arith.andi %ne3A_87, %ne3A_90 : i1
      %sub3A_92 = arith.constant 1 : i32
      %sub3A_93 = arith.subi %div3A_72, %sub3A_92 : i32
      %select_n3A_94 = arith.select %and3A_91, %sub3A_93, %div3A_72 : i32
      %jit3A_95 = arith.constant 25 : i32
      %eq3A_96 = arith.constant 0 : i32
      %eq3A_97 = arith.cmpi eq, %jit3A_95, %eq3A_96 : i32
      %jit3A_98 = arith.constant 1 : i32
      %select_n3A_99 = arith.select %eq3A_97, %jit3A_98, %jit3A_95 : i32
      %rem3A_100 = arith.remsi %add3A_5, %select_n3A_99 : i32
      %ne3A_101 = arith.constant 0 : i32
      %ne3A_102 = arith.cmpi ne, %rem3A_100, %ne3A_101 : i32
      %lt3A_103 = arith.constant 0 : i32
      %lt3A_104 = arith.cmpi slt, %rem3A_100, %lt3A_103 : i32
      %lt3A_105 = arith.constant 0 : i32
      %lt3A_106 = arith.cmpi slt, %select_n3A_99, %lt3A_105 : i32
      %ne3A_107 = arith.xori %lt3A_104, %lt3A_106 : i1
      %and3A_108 = arith.andi %ne3A_107, %ne3A_102 : i1
      %add3A_109 = arith.addi %rem3A_100, %select_n3A_99 : i32
      %select_n3A_110 = arith.select %and3A_108, %add3A_109, %rem3A_100 : i32
      %mul3A_111 = arith.constant 40 : i32
      %mul3A_112 = arith.muli %select_n3A_110, %mul3A_111 : i32
      %dma_start3A = arith.constant 0 : i32
      %dma_start3A_113 = tpu.memref_slice %arg4[%select_n3A_94, %mul3A_112, %dma_start3A] : memref<50x1000x1024xf32, #tpu.memory_space<hbm>> -> memref<1x40x1024xf32, #tpu.memory_space<hbm>>
      %dma_start3A_114 = tpu.memref_squeeze %dma_start3A_113 : memref<1x40x1024xf32, #tpu.memory_space<hbm>> -> memref<40x1024xf32, #tpu.memory_space<hbm>>
      %dma_start3A_115 = arith.constant 0 : i32
      %dma_start3A_116 = tpu.memref_slice %arg4[%select_n3A_94, %mul3A_112, %dma_start3A_115] : memref<50x1000x1024xf32, #tpu.memory_space<hbm>> -> memref<1x40x1024xf32, #tpu.memory_space<hbm>>
      %dma_start3A_117 = tpu.memref_squeeze %dma_start3A_116 : memref<1x40x1024xf32, #tpu.memory_space<hbm>> -> memref<40x1024xf32, #tpu.memory_space<hbm>>
      tpu.enqueue_dma source(%arg7 : memref<40x1024xf32, #tpu.memory_space<vmem>>) target(%dma_start3A_117 : memref<40x1024xf32, #tpu.memory_space<hbm>>) target_semaphore(%arg9 : memref<!tpu.dma_semaphore, #tpu.memory_space<semaphore_mem>>)
    } else {
    }
    %add3A_8 = arith.constant 32 : i32
    %add3A_9 = arith.addi %add3A, %add3A_8 : i32
    %lt3A_10 = arith.constant 1250 : i32
    %lt3A_11 = arith.cmpi slt, %add3A_9, %lt3A_10 : i32
    %convert_element_type3A_12 = arith.extui %lt3A_11 : i1 to i32
    %cond3A_13 = arith.constant 0 : i32
    %cond3A_14 = arith.cmpi ne, %convert_element_type3A_12, %cond3A_13 : i32
    scf.if %cond3A_14 {
      %jit3A = arith.constant 25 : i32
      %div3A = arith.divsi %add3A_9, %jit3A : i32
      %sign3A = arith.constant 0 : i32
      %sign3A_33 = arith.cmpi sgt, %add3A_9, %sign3A : i32
      %sign3A_34 = arith.extui %sign3A_33 : i1 to i32
      %sign3A_35 = arith.constant 0 : i32
      %sign3A_36 = arith.cmpi slt, %add3A_9, %sign3A_35 : i32
      %sign3A_37 = arith.extui %sign3A_36 : i1 to i32
      %sign3A_38 = arith.subi %sign3A_34, %sign3A_37 : i32
      %sign3A_39 = arith.constant 0 : i32
      %sign3A_40 = arith.cmpi sgt, %jit3A, %sign3A_39 : i32
      %sign3A_41 = arith.extui %sign3A_40 : i1 to i32
      %sign3A_42 = arith.constant 0 : i32
      %sign3A_43 = arith.cmpi slt, %jit3A, %sign3A_42 : i32
      %sign3A_44 = arith.extui %sign3A_43 : i1 to i32
      %sign3A_45 = arith.subi %sign3A_41, %sign3A_44 : i32
      %ne3A = arith.cmpi ne, %sign3A_38, %sign3A_45 : i32
      %rem3A = arith.remsi %add3A_9, %jit3A : i32
      %ne3A_46 = arith.constant 0 : i32
      %ne3A_47 = arith.cmpi ne, %rem3A, %ne3A_46 : i32
      %and3A = arith.andi %ne3A, %ne3A_47 : i1
      %sub3A = arith.constant 1 : i32
      %sub3A_48 = arith.subi %div3A, %sub3A : i32
      %select_n3A = arith.select %and3A, %sub3A_48, %div3A : i32
      "tpu.region"() ({
        %run_scoped3A = tpu.sem_alloc : memref<!tpu.dma_semaphore, #tpu.memory_space<semaphore_mem>>
        %dma_start3A_118 = arith.constant 0 : i32
        %dma_start3A_119 = tpu.memref_slice %arg2[%select_n3A, %dma_start3A_118] : memref<50x1024xi32, #tpu.memory_space<hbm>> -> memref<1x1024xi32, #tpu.memory_space<hbm>>
        %dma_start3A_120 = tpu.memref_squeeze %dma_start3A_119 : memref<1x1024xi32, #tpu.memory_space<hbm>> -> memref<1024xi32, #tpu.memory_space<hbm>>
        %dma_start3A_121 = arith.constant 0 : i32
        %dma_start3A_122 = tpu.memref_slice %arg2[%select_n3A, %dma_start3A_121] : memref<50x1024xi32, #tpu.memory_space<hbm>> -> memref<1x1024xi32, #tpu.memory_space<hbm>>
        %dma_start3A_123 = tpu.memref_squeeze %dma_start3A_122 : memref<1x1024xi32, #tpu.memory_space<hbm>> -> memref<1024xi32, #tpu.memory_space<hbm>>
        tpu.enqueue_dma source(%dma_start3A_123 : memref<1024xi32, #tpu.memory_space<hbm>>) target(%arg6 : memref<1024xi32, #tpu.memory_space<vmem>>) target_semaphore(%run_scoped3A : memref<!tpu.dma_semaphore, #tpu.memory_space<semaphore_mem>>)
        %dma_wait3A = arith.constant 0 : i32
        %dma_wait3A_124 = tpu.memref_slice %arg2[%select_n3A, %dma_wait3A] : memref<50x1024xi32, #tpu.memory_space<hbm>> -> memref<1x1024xi32, #tpu.memory_space<hbm>>
        %dma_wait3A_125 = tpu.memref_squeeze %dma_wait3A_124 : memref<1x1024xi32, #tpu.memory_space<hbm>> -> memref<1024xi32, #tpu.memory_space<hbm>>
        %dma_wait3A_126 = arith.constant 0 : i32
        %dma_wait3A_127 = tpu.memref_slice %arg2[%select_n3A, %dma_wait3A_126] : memref<50x1024xi32, #tpu.memory_space<hbm>> -> memref<1x1024xi32, #tpu.memory_space<hbm>>
        %dma_wait3A_128 = tpu.memref_squeeze %dma_wait3A_127 : memref<1x1024xi32, #tpu.memory_space<hbm>> -> memref<1024xi32, #tpu.memory_space<hbm>>
        tpu.wait_dma2 semaphore(%run_scoped3A : memref<!tpu.dma_semaphore, #tpu.memory_space<semaphore_mem>>) src(%dma_wait3A_128 : memref<1024xi32, #tpu.memory_space<hbm>>) dst(%arg6 : memref<1024xi32, #tpu.memory_space<vmem>>)
        tpu.yield
      }) : () -> ()
      %jit3A_49 = arith.constant 25 : i32
      %eq3A = arith.constant 0 : i32
      %eq3A_50 = arith.cmpi eq, %jit3A_49, %eq3A : i32
      %jit3A_51 = arith.constant 1 : i32
      %select_n3A_52 = arith.select %eq3A_50, %jit3A_51, %jit3A_49 : i32
      %rem3A_53 = arith.remsi %add3A_9, %select_n3A_52 : i32
      %ne3A_54 = arith.constant 0 : i32
      %ne3A_55 = arith.cmpi ne, %rem3A_53, %ne3A_54 : i32
      %lt3A_56 = arith.constant 0 : i32
      %lt3A_57 = arith.cmpi slt, %rem3A_53, %lt3A_56 : i32
      %lt3A_58 = arith.constant 0 : i32
      %lt3A_59 = arith.cmpi slt, %select_n3A_52, %lt3A_58 : i32
      %ne3A_60 = arith.xori %lt3A_57, %lt3A_59 : i1
      %and3A_61 = arith.andi %ne3A_60, %ne3A_55 : i1
      %add3A_62 = arith.addi %rem3A_53, %select_n3A_52 : i32
      %select_n3A_63 = arith.select %and3A_61, %add3A_62, %rem3A_53 : i32
      %mul3A_64 = arith.constant 40 : i32
      %mul3A_65 = arith.muli %select_n3A_63, %mul3A_64 : i32
      %scan3A_66 = arith.constant 0 : i32
      %scan3A_67 = arith.constant 64 : i32
      %scan3A_68 = arith.addi %scan3A_66, %scan3A_67 : i32
      %scan3A_69 = arith.constant 1 : i32
      scf.for %scan3A_118 = %scan3A_66 to %scan3A_68 step %scan3A_69  : i32 {
        %mul3A_119 = arith.constant 1 : i32
        %mul3A_120 = arith.muli %scan3A_118, %mul3A_119 : i32
        %add3A_121 = arith.constant 0 : i32
        %add3A_122 = arith.addi %add3A_121, %mul3A_120 : i32
        %mul3A_123 = arith.constant 16 : i32
        %mul3A_124 = arith.muli %add3A_122, %mul3A_123 : i32
        %get3A = arith.index_cast %mul3A_124 : i32 to index
        %get3A_125 = tpu.vector_load %arg6[%get3A] {strides = array<i32>} : memref<1024xi32, #tpu.memory_space<vmem>>, vector<16xi32>,
        %ge3A = vector.broadcast %mul3A_65 : i32 to vector<16xi32>
        %ge3A_126 = arith.cmpi sge, %get3A_125, %ge3A : vector<16xi32>
        %add3A_127 = arith.constant 40 : i32
        %add3A_128 = arith.addi %mul3A_65, %add3A_127 : i32
        %lt3A_129 = vector.broadcast %add3A_128 : i32 to vector<16xi32>
        %lt3A_130 = arith.cmpi slt, %get3A_125, %lt3A_129 : vector<16xi32>
        %and3A_131 = arith.andi %ge3A_126, %lt3A_130 : vector<16xi1>
        %sub3A_132 = vector.broadcast %mul3A_65 : i32 to vector<16xi32>
        %sub3A_133 = arith.subi %get3A_125, %sub3A_132 : vector<16xi32>
        %mul3A_134 = arith.constant 16 : i32
        %mul3A_135 = arith.muli %add3A_122, %mul3A_134 : i32
        %add3A_136 = vector.broadcast %mul3A_135 : i32 to vector<16xi32>
        %add3A_137 = arith.addi %iota3A, %add3A_136 : vector<16xi32>
        tpu.vector_store_idx %arg8[%sub3A_133, %add3A_137], %broadcast_in_dim3A_1 masked %and3A_131 : memref<40x1024xf32, #tpu.memory_space<vmem>>[vector<16xi32>, vector<16xi32>], vector<16xf32>, vector<16xi1>
      }
      %scan3A_70 = arith.constant 64 : i32
      %jit3A_71 = arith.constant 25 : i32
      %div3A_72 = arith.divsi %add3A_9, %jit3A_71 : i32
      %sign3A_73 = arith.constant 0 : i32
      %sign3A_74 = arith.cmpi sgt, %add3A_9, %sign3A_73 : i32
      %sign3A_75 = arith.extui %sign3A_74 : i1 to i32
      %sign3A_76 = arith.constant 0 : i32
      %sign3A_77 = arith.cmpi slt, %add3A_9, %sign3A_76 : i32
      %sign3A_78 = arith.extui %sign3A_77 : i1 to i32
      %sign3A_79 = arith.subi %sign3A_75, %sign3A_78 : i32
      %sign3A_80 = arith.constant 0 : i32
      %sign3A_81 = arith.cmpi sgt, %jit3A_71, %sign3A_80 : i32
      %sign3A_82 = arith.extui %sign3A_81 : i1 to i32
      %sign3A_83 = arith.constant 0 : i32
      %sign3A_84 = arith.cmpi slt, %jit3A_71, %sign3A_83 : i32
      %sign3A_85 = arith.extui %sign3A_84 : i1 to i32
      %sign3A_86 = arith.subi %sign3A_82, %sign3A_85 : i32
      %ne3A_87 = arith.cmpi ne, %sign3A_79, %sign3A_86 : i32
      %rem3A_88 = arith.remsi %add3A_9, %jit3A_71 : i32
      %ne3A_89 = arith.constant 0 : i32
      %ne3A_90 = arith.cmpi ne, %rem3A_88, %ne3A_89 : i32
      %and3A_91 = arith.andi %ne3A_87, %ne3A_90 : i1
      %sub3A_92 = arith.constant 1 : i32
      %sub3A_93 = arith.subi %div3A_72, %sub3A_92 : i32
      %select_n3A_94 = arith.select %and3A_91, %sub3A_93, %div3A_72 : i32
      %jit3A_95 = arith.constant 25 : i32
      %eq3A_96 = arith.constant 0 : i32
      %eq3A_97 = arith.cmpi eq, %jit3A_95, %eq3A_96 : i32
      %jit3A_98 = arith.constant 1 : i32
      %select_n3A_99 = arith.select %eq3A_97, %jit3A_98, %jit3A_95 : i32
      %rem3A_100 = arith.remsi %add3A_9, %select_n3A_99 : i32
      %ne3A_101 = arith.constant 0 : i32
      %ne3A_102 = arith.cmpi ne, %rem3A_100, %ne3A_101 : i32
      %lt3A_103 = arith.constant 0 : i32
      %lt3A_104 = arith.cmpi slt, %rem3A_100, %lt3A_103 : i32
      %lt3A_105 = arith.constant 0 : i32
      %lt3A_106 = arith.cmpi slt, %select_n3A_99, %lt3A_105 : i32
      %ne3A_107 = arith.xori %lt3A_104, %lt3A_106 : i1
      %and3A_108 = arith.andi %ne3A_107, %ne3A_102 : i1
      %add3A_109 = arith.addi %rem3A_100, %select_n3A_99 : i32
      %select_n3A_110 = arith.select %and3A_108, %add3A_109, %rem3A_100 : i32
      %mul3A_111 = arith.constant 40 : i32
      %mul3A_112 = arith.muli %select_n3A_110, %mul3A_111 : i32
      %dma_start3A = arith.constant 0 : i32
      %dma_start3A_113 = tpu.memref_slice %arg4[%select_n3A_94, %mul3A_112, %dma_start3A] : memref<50x1000x1024xf32, #tpu.memory_space<hbm>> -> memref<1x40x1024xf32, #tpu.memory_space<hbm>>
      %dma_start3A_114 = tpu.memref_squeeze %dma_start3A_113 : memref<1x40x1024xf32, #tpu.memory_space<hbm>> -> memref<40x1024xf32, #tpu.memory_space<hbm>>
      %dma_start3A_115 = arith.constant 0 : i32
      %dma_start3A_116 = tpu.memref_slice %arg4[%select_n3A_94, %mul3A_112, %dma_start3A_115] : memref<50x1000x1024xf32, #tpu.memory_space<hbm>> -> memref<1x40x1024xf32, #tpu.memory_space<hbm>>
      %dma_start3A_117 = tpu.memref_squeeze %dma_start3A_116 : memref<1x40x1024xf32, #tpu.memory_space<hbm>> -> memref<40x1024xf32, #tpu.memory_space<hbm>>
      tpu.enqueue_dma source(%arg8 : memref<40x1024xf32, #tpu.memory_space<vmem>>) target(%dma_start3A_117 : memref<40x1024xf32, #tpu.memory_space<hbm>>) target_semaphore(%arg10 : memref<!tpu.dma_semaphore, #tpu.memory_space<semaphore_mem>>)
    } else {
    }
    %scan3A = arith.constant 0 : i32
    %scan3A_15 = arith.constant 38 : i32
    %scan3A_16 = arith.addi %scan3A, %scan3A_15 : i32
    %scan3A_17 = arith.constant 1 : i32
    scf.for %scan3A_33 = %scan3A to %scan3A_16 step %scan3A_17  : i32 {
      %mul3A_34 = arith.constant 1 : i32
      %mul3A_35 = arith.muli %scan3A_33, %mul3A_34 : i32
      %add3A_36 = arith.constant 2 : i32
      %add3A_37 = arith.addi %add3A_36, %mul3A_35 : i32
      %mul3A_38 = arith.constant 32 : i32
      %mul3A_39 = arith.muli %add3A_37, %mul3A_38 : i32
      %add3A_40 = arith.addi %add3A, %mul3A_39 : i32
      %jit3A = arith.constant 2 : i32
      %eq3A = arith.constant 0 : i32
      %eq3A_41 = arith.cmpi eq, %jit3A, %eq3A : i32
      %jit3A_42 = arith.constant 1 : i32
      %select_n3A = arith.select %eq3A_41, %jit3A_42, %jit3A : i32
      %rem3A = arith.remsi %add3A_37, %select_n3A : i32
      %ne3A = arith.constant 0 : i32
      %ne3A_43 = arith.cmpi ne, %rem3A, %ne3A : i32
      %lt3A_44 = arith.constant 0 : i32
      %lt3A_45 = arith.cmpi slt, %rem3A, %lt3A_44 : i32
      %lt3A_46 = arith.constant 0 : i32
      %lt3A_47 = arith.cmpi slt, %select_n3A, %lt3A_46 : i32
      %ne3A_48 = arith.xori %lt3A_45, %lt3A_47 : i1
      %and3A = arith.andi %ne3A_48, %ne3A_43 : i1
      %add3A_49 = arith.addi %rem3A, %select_n3A : i32
      %select_n3A_50 = arith.select %and3A, %add3A_49, %rem3A : i32
      %lt3A_51 = arith.constant 1250 : i32
      %lt3A_52 = arith.cmpi slt, %add3A_40, %lt3A_51 : i32
      %convert_element_type3A_53 = arith.extui %lt3A_52 : i1 to i32
      %cond3A_54 = arith.constant 0 : i32
      %cond3A_55 = arith.cmpi ne, %convert_element_type3A_53, %cond3A_54 : i32
      scf.if %cond3A_55 {
        %eq3A_56 = arith.constant 0 : i32
        %eq3A_57 = arith.cmpi eq, %select_n3A_50, %eq3A_56 : i32
        %convert_element_type3A_58 = arith.extui %eq3A_57 : i1 to i32
        %cond3A_59 = arith.constant 0 : i32
        %cond3A_60 = arith.cmpi ne, %convert_element_type3A_58, %cond3A_59 : i32
        scf.if %cond3A_60 {
          %sub3A = arith.constant 64 : i32
          %sub3A_66 = arith.subi %add3A_40, %sub3A : i32
          %jit3A_67 = arith.constant 25 : i32
          %div3A = arith.divsi %sub3A_66, %jit3A_67 : i32
          %sign3A = arith.constant 0 : i32
          %sign3A_68 = arith.cmpi sgt, %sub3A_66, %sign3A : i32
          %sign3A_69 = arith.extui %sign3A_68 : i1 to i32
          %sign3A_70 = arith.constant 0 : i32
          %sign3A_71 = arith.cmpi slt, %sub3A_66, %sign3A_70 : i32
          %sign3A_72 = arith.extui %sign3A_71 : i1 to i32
          %sign3A_73 = arith.subi %sign3A_69, %sign3A_72 : i32
          %sign3A_74 = arith.constant 0 : i32
          %sign3A_75 = arith.cmpi sgt, %jit3A_67, %sign3A_74 : i32
          %sign3A_76 = arith.extui %sign3A_75 : i1 to i32
          %sign3A_77 = arith.constant 0 : i32
          %sign3A_78 = arith.cmpi slt, %jit3A_67, %sign3A_77 : i32
          %sign3A_79 = arith.extui %sign3A_78 : i1 to i32
          %sign3A_80 = arith.subi %sign3A_76, %sign3A_79 : i32
          %ne3A_81 = arith.cmpi ne, %sign3A_73, %sign3A_80 : i32
          %rem3A_82 = arith.remsi %sub3A_66, %jit3A_67 : i32
          %ne3A_83 = arith.constant 0 : i32
          %ne3A_84 = arith.cmpi ne, %rem3A_82, %ne3A_83 : i32
          %and3A_85 = arith.andi %ne3A_81, %ne3A_84 : i1
          %sub3A_86 = arith.constant 1 : i32
          %sub3A_87 = arith.subi %div3A, %sub3A_86 : i32
          %select_n3A_88 = arith.select %and3A_85, %sub3A_87, %div3A : i32
          %jit3A_89 = arith.constant 25 : i32
          %eq3A_90 = arith.constant 0 : i32
          %eq3A_91 = arith.cmpi eq, %jit3A_89, %eq3A_90 : i32
          %jit3A_92 = arith.constant 1 : i32
          %select_n3A_93 = arith.select %eq3A_91, %jit3A_92, %jit3A_89 : i32
          %rem3A_94 = arith.remsi %sub3A_66, %select_n3A_93 : i32
          %ne3A_95 = arith.constant 0 : i32
          %ne3A_96 = arith.cmpi ne, %rem3A_94, %ne3A_95 : i32
          %lt3A_97 = arith.constant 0 : i32
          %lt3A_98 = arith.cmpi slt, %rem3A_94, %lt3A_97 : i32
          %lt3A_99 = arith.constant 0 : i32
          %lt3A_100 = arith.cmpi slt, %select_n3A_93, %lt3A_99 : i32
          %ne3A_101 = arith.xori %lt3A_98, %lt3A_100 : i1
          %and3A_102 = arith.andi %ne3A_101, %ne3A_96 : i1
          %add3A_103 = arith.addi %rem3A_94, %select_n3A_93 : i32
          %select_n3A_104 = arith.select %and3A_102, %add3A_103, %rem3A_94 : i32
          %mul3A_105 = arith.constant 40 : i32
          %mul3A_106 = arith.muli %select_n3A_104, %mul3A_105 : i32
          %dma_wait3A = arith.constant 0 : i32
          %dma_wait3A_107 = tpu.memref_slice %arg4[%select_n3A_88, %mul3A_106, %dma_wait3A] : memref<50x1000x1024xf32, #tpu.memory_space<hbm>> -> memref<1x40x1024xf32, #tpu.memory_space<hbm>>
          %dma_wait3A_108 = tpu.memref_squeeze %dma_wait3A_107 : memref<1x40x1024xf32, #tpu.memory_space<hbm>> -> memref<40x1024xf32, #tpu.memory_space<hbm>>
          %dma_wait3A_109 = arith.constant 0 : i32
          %dma_wait3A_110 = tpu.memref_slice %arg4[%select_n3A_88, %mul3A_106, %dma_wait3A_109] : memref<50x1000x1024xf32, #tpu.memory_space<hbm>> -> memref<1x40x1024xf32, #tpu.memory_space<hbm>>
          %dma_wait3A_111 = tpu.memref_squeeze %dma_wait3A_110 : memref<1x40x1024xf32, #tpu.memory_space<hbm>> -> memref<40x1024xf32, #tpu.memory_space<hbm>>
          tpu.wait_dma2 semaphore(%arg9 : memref<!tpu.dma_semaphore, #tpu.memory_space<semaphore_mem>>) src(%arg7 : memref<40x1024xf32, #tpu.memory_space<vmem>>) dst(%dma_wait3A_111 : memref<40x1024xf32, #tpu.memory_space<hbm>>)
          %sub3A_112 = arith.constant 64 : i32
          %sub3A_113 = arith.subi %add3A_40, %sub3A_112 : i32
          %jit3A_114 = arith.constant 25 : i32
          %eq3A_115 = arith.constant 0 : i32
          %eq3A_116 = arith.cmpi eq, %jit3A_114, %eq3A_115 : i32
          %jit3A_117 = arith.constant 1 : i32
          %select_n3A_118 = arith.select %eq3A_116, %jit3A_117, %jit3A_114 : i32
          %rem3A_119 = arith.remsi %sub3A_113, %select_n3A_118 : i32
          %ne3A_120 = arith.constant 0 : i32
          %ne3A_121 = arith.cmpi ne, %rem3A_119, %ne3A_120 : i32
          %lt3A_122 = arith.constant 0 : i32
          %lt3A_123 = arith.cmpi slt, %rem3A_119, %lt3A_122 : i32
          %lt3A_124 = arith.constant 0 : i32
          %lt3A_125 = arith.cmpi slt, %select_n3A_118, %lt3A_124 : i32
          %ne3A_126 = arith.xori %lt3A_123, %lt3A_125 : i1
          %and3A_127 = arith.andi %ne3A_126, %ne3A_121 : i1
          %add3A_128 = arith.addi %rem3A_119, %select_n3A_118 : i32
          %select_n3A_129 = arith.select %and3A_127, %add3A_128, %rem3A_119 : i32
          %mul3A_130 = arith.constant 40 : i32
          %mul3A_131 = arith.muli %select_n3A_129, %mul3A_130 : i32
          %scan3A_132 = arith.constant 0 : i32
          %scan3A_133 = arith.constant 64 : i32
          %scan3A_134 = arith.addi %scan3A_132, %scan3A_133 : i32
          %scan3A_135 = arith.constant 1 : i32
          scf.for %scan3A_231 = %scan3A_132 to %scan3A_134 step %scan3A_135  : i32 {
            %mul3A_232 = arith.constant 1 : i32
            %mul3A_233 = arith.muli %scan3A_231, %mul3A_232 : i32
            %add3A_234 = arith.constant 0 : i32
            %add3A_235 = arith.addi %add3A_234, %mul3A_233 : i32
            %mul3A_236 = arith.constant 16 : i32
            %mul3A_237 = arith.muli %add3A_235, %mul3A_236 : i32
            %get3A = arith.index_cast %mul3A_237 : i32 to index
            %get3A_238 = tpu.vector_load %arg5[%get3A] {strides = array<i32>} : memref<1024xi32, #tpu.memory_space<vmem>>, vector<16xi32>,
            %ge3A = vector.broadcast %mul3A_131 : i32 to vector<16xi32>
            %ge3A_239 = arith.cmpi sge, %get3A_238, %ge3A : vector<16xi32>
            %add3A_240 = arith.constant 40 : i32
            %add3A_241 = arith.addi %mul3A_131, %add3A_240 : i32
            %lt3A_242 = vector.broadcast %add3A_241 : i32 to vector<16xi32>
            %lt3A_243 = arith.cmpi slt, %get3A_238, %lt3A_242 : vector<16xi32>
            %and3A_244 = arith.andi %ge3A_239, %lt3A_243 : vector<16xi1>
            %sub3A_245 = vector.broadcast %mul3A_131 : i32 to vector<16xi32>
            %sub3A_246 = arith.subi %get3A_238, %sub3A_245 : vector<16xi32>
            %mul3A_247 = arith.constant 16 : i32
            %mul3A_248 = arith.muli %add3A_235, %mul3A_247 : i32
            %add3A_249 = vector.broadcast %mul3A_248 : i32 to vector<16xi32>
            %add3A_250 = arith.addi %iota3A, %add3A_249 : vector<16xi32>
            tpu.vector_store_idx %arg7[%sub3A_246, %add3A_250], %broadcast_in_dim3A_3 masked %and3A_244 : memref<40x1024xf32, #tpu.memory_space<vmem>>[vector<16xi32>, vector<16xi32>], vector<16xf32>, vector<16xi1>
          }
          %scan3A_136 = arith.constant 64 : i32
          %jit3A_137 = arith.constant 25 : i32
          %div3A_138 = arith.divsi %add3A_40, %jit3A_137 : i32
          %sign3A_139 = arith.constant 0 : i32
          %sign3A_140 = arith.cmpi sgt, %add3A_40, %sign3A_139 : i32
          %sign3A_141 = arith.extui %sign3A_140 : i1 to i32
          %sign3A_142 = arith.constant 0 : i32
          %sign3A_143 = arith.cmpi slt, %add3A_40, %sign3A_142 : i32
          %sign3A_144 = arith.extui %sign3A_143 : i1 to i32
          %sign3A_145 = arith.subi %sign3A_141, %sign3A_144 : i32
          %sign3A_146 = arith.constant 0 : i32
          %sign3A_147 = arith.cmpi sgt, %jit3A_137, %sign3A_146 : i32
          %sign3A_148 = arith.extui %sign3A_147 : i1 to i32
          %sign3A_149 = arith.constant 0 : i32
          %sign3A_150 = arith.cmpi slt, %jit3A_137, %sign3A_149 : i32
          %sign3A_151 = arith.extui %sign3A_150 : i1 to i32
          %sign3A_152 = arith.subi %sign3A_148, %sign3A_151 : i32
          %ne3A_153 = arith.cmpi ne, %sign3A_145, %sign3A_152 : i32
          %rem3A_154 = arith.remsi %add3A_40, %jit3A_137 : i32
          %ne3A_155 = arith.constant 0 : i32
          %ne3A_156 = arith.cmpi ne, %rem3A_154, %ne3A_155 : i32
          %and3A_157 = arith.andi %ne3A_153, %ne3A_156 : i1
          %sub3A_158 = arith.constant 1 : i32
          %sub3A_159 = arith.subi %div3A_138, %sub3A_158 : i32
          %select_n3A_160 = arith.select %and3A_157, %sub3A_159, %div3A_138 : i32
          "tpu.region"() ({
            %run_scoped3A = tpu.sem_alloc : memref<!tpu.dma_semaphore, #tpu.memory_space<semaphore_mem>>
            %dma_start3A_231 = arith.constant 0 : i32
            %dma_start3A_232 = tpu.memref_slice %arg2[%select_n3A_160, %dma_start3A_231] : memref<50x1024xi32, #tpu.memory_space<hbm>> -> memref<1x1024xi32, #tpu.memory_space<hbm>>
            %dma_start3A_233 = tpu.memref_squeeze %dma_start3A_232 : memref<1x1024xi32, #tpu.memory_space<hbm>> -> memref<1024xi32, #tpu.memory_space<hbm>>
            %dma_start3A_234 = arith.constant 0 : i32
            %dma_start3A_235 = tpu.memref_slice %arg2[%select_n3A_160, %dma_start3A_234] : memref<50x1024xi32, #tpu.memory_space<hbm>> -> memref<1x1024xi32, #tpu.memory_space<hbm>>
            %dma_start3A_236 = tpu.memref_squeeze %dma_start3A_235 : memref<1x1024xi32, #tpu.memory_space<hbm>> -> memref<1024xi32, #tpu.memory_space<hbm>>
            tpu.enqueue_dma source(%dma_start3A_236 : memref<1024xi32, #tpu.memory_space<hbm>>) target(%arg5 : memref<1024xi32, #tpu.memory_space<vmem>>) target_semaphore(%run_scoped3A : memref<!tpu.dma_semaphore, #tpu.memory_space<semaphore_mem>>)
            %dma_wait3A_237 = arith.constant 0 : i32
            %dma_wait3A_238 = tpu.memref_slice %arg2[%select_n3A_160, %dma_wait3A_237] : memref<50x1024xi32, #tpu.memory_space<hbm>> -> memref<1x1024xi32, #tpu.memory_space<hbm>>
            %dma_wait3A_239 = tpu.memref_squeeze %dma_wait3A_238 : memref<1x1024xi32, #tpu.memory_space<hbm>> -> memref<1024xi32, #tpu.memory_space<hbm>>
            %dma_wait3A_240 = arith.constant 0 : i32
            %dma_wait3A_241 = tpu.memref_slice %arg2[%select_n3A_160, %dma_wait3A_240] : memref<50x1024xi32, #tpu.memory_space<hbm>> -> memref<1x1024xi32, #tpu.memory_space<hbm>>
            %dma_wait3A_242 = tpu.memref_squeeze %dma_wait3A_241 : memref<1x1024xi32, #tpu.memory_space<hbm>> -> memref<1024xi32, #tpu.memory_space<hbm>>
            tpu.wait_dma2 semaphore(%run_scoped3A : memref<!tpu.dma_semaphore, #tpu.memory_space<semaphore_mem>>) src(%dma_wait3A_242 : memref<1024xi32, #tpu.memory_space<hbm>>) dst(%arg5 : memref<1024xi32, #tpu.memory_space<vmem>>)
            tpu.yield
          }) : () -> ()
          %jit3A_161 = arith.constant 25 : i32
          %eq3A_162 = arith.constant 0 : i32
          %eq3A_163 = arith.cmpi eq, %jit3A_161, %eq3A_162 : i32
          %jit3A_164 = arith.constant 1 : i32
          %select_n3A_165 = arith.select %eq3A_163, %jit3A_164, %jit3A_161 : i32
          %rem3A_166 = arith.remsi %add3A_40, %select_n3A_165 : i32
          %ne3A_167 = arith.constant 0 : i32
          %ne3A_168 = arith.cmpi ne, %rem3A_166, %ne3A_167 : i32
          %lt3A_169 = arith.constant 0 : i32
          %lt3A_170 = arith.cmpi slt, %rem3A_166, %lt3A_169 : i32
          %lt3A_171 = arith.constant 0 : i32
          %lt3A_172 = arith.cmpi slt, %select_n3A_165, %lt3A_171 : i32
          %ne3A_173 = arith.xori %lt3A_170, %lt3A_172 : i1
          %and3A_174 = arith.andi %ne3A_173, %ne3A_168 : i1
          %add3A_175 = arith.addi %rem3A_166, %select_n3A_165 : i32
          %select_n3A_176 = arith.select %and3A_174, %add3A_175, %rem3A_166 : i32
          %mul3A_177 = arith.constant 40 : i32
          %mul3A_178 = arith.muli %select_n3A_176, %mul3A_177 : i32
          %scan3A_179 = arith.constant 0 : i32
          %scan3A_180 = arith.constant 64 : i32
          %scan3A_181 = arith.addi %scan3A_179, %scan3A_180 : i32
          %scan3A_182 = arith.constant 1 : i32
          scf.for %scan3A_231 = %scan3A_179 to %scan3A_181 step %scan3A_182  : i32 {
            %mul3A_232 = arith.constant 1 : i32
            %mul3A_233 = arith.muli %scan3A_231, %mul3A_232 : i32
            %add3A_234 = arith.constant 0 : i32
            %add3A_235 = arith.addi %add3A_234, %mul3A_233 : i32
            %mul3A_236 = arith.constant 16 : i32
            %mul3A_237 = arith.muli %add3A_235, %mul3A_236 : i32
            %get3A = arith.index_cast %mul3A_237 : i32 to index
            %get3A_238 = tpu.vector_load %arg5[%get3A] {strides = array<i32>} : memref<1024xi32, #tpu.memory_space<vmem>>, vector<16xi32>,
            %ge3A = vector.broadcast %mul3A_178 : i32 to vector<16xi32>
            %ge3A_239 = arith.cmpi sge, %get3A_238, %ge3A : vector<16xi32>
            %add3A_240 = arith.constant 40 : i32
            %add3A_241 = arith.addi %mul3A_178, %add3A_240 : i32
            %lt3A_242 = vector.broadcast %add3A_241 : i32 to vector<16xi32>
            %lt3A_243 = arith.cmpi slt, %get3A_238, %lt3A_242 : vector<16xi32>
            %and3A_244 = arith.andi %ge3A_239, %lt3A_243 : vector<16xi1>
            %sub3A_245 = vector.broadcast %mul3A_178 : i32 to vector<16xi32>
            %sub3A_246 = arith.subi %get3A_238, %sub3A_245 : vector<16xi32>
            %mul3A_247 = arith.constant 16 : i32
            %mul3A_248 = arith.muli %add3A_235, %mul3A_247 : i32
            %add3A_249 = vector.broadcast %mul3A_248 : i32 to vector<16xi32>
            %add3A_250 = arith.addi %iota3A, %add3A_249 : vector<16xi32>
            tpu.vector_store_idx %arg7[%sub3A_246, %add3A_250], %broadcast_in_dim3A_1 masked %and3A_244 : memref<40x1024xf32, #tpu.memory_space<vmem>>[vector<16xi32>, vector<16xi32>], vector<16xf32>, vector<16xi1>
          }
          %scan3A_183 = arith.constant 64 : i32
          %jit3A_184 = arith.constant 25 : i32
          %div3A_185 = arith.divsi %add3A_40, %jit3A_184 : i32
          %sign3A_186 = arith.constant 0 : i32
          %sign3A_187 = arith.cmpi sgt, %add3A_40, %sign3A_186 : i32
          %sign3A_188 = arith.extui %sign3A_187 : i1 to i32
          %sign3A_189 = arith.constant 0 : i32
          %sign3A_190 = arith.cmpi slt, %add3A_40, %sign3A_189 : i32
          %sign3A_191 = arith.extui %sign3A_190 : i1 to i32
          %sign3A_192 = arith.subi %sign3A_188, %sign3A_191 : i32
          %sign3A_193 = arith.constant 0 : i32
          %sign3A_194 = arith.cmpi sgt, %jit3A_184, %sign3A_193 : i32
          %sign3A_195 = arith.extui %sign3A_194 : i1 to i32
          %sign3A_196 = arith.constant 0 : i32
          %sign3A_197 = arith.cmpi slt, %jit3A_184, %sign3A_196 : i32
          %sign3A_198 = arith.extui %sign3A_197 : i1 to i32
          %sign3A_199 = arith.subi %sign3A_195, %sign3A_198 : i32
          %ne3A_200 = arith.cmpi ne, %sign3A_192, %sign3A_199 : i32
          %rem3A_201 = arith.remsi %add3A_40, %jit3A_184 : i32
          %ne3A_202 = arith.constant 0 : i32
          %ne3A_203 = arith.cmpi ne, %rem3A_201, %ne3A_202 : i32
          %and3A_204 = arith.andi %ne3A_200, %ne3A_203 : i1
          %sub3A_205 = arith.constant 1 : i32
          %sub3A_206 = arith.subi %div3A_185, %sub3A_205 : i32
          %select_n3A_207 = arith.select %and3A_204, %sub3A_206, %div3A_185 : i32
          %jit3A_208 = arith.constant 25 : i32
          %eq3A_209 = arith.constant 0 : i32
          %eq3A_210 = arith.cmpi eq, %jit3A_208, %eq3A_209 : i32
          %jit3A_211 = arith.constant 1 : i32
          %select_n3A_212 = arith.select %eq3A_210, %jit3A_211, %jit3A_208 : i32
          %rem3A_213 = arith.remsi %add3A_40, %select_n3A_212 : i32
          %ne3A_214 = arith.constant 0 : i32
          %ne3A_215 = arith.cmpi ne, %rem3A_213, %ne3A_214 : i32
          %lt3A_216 = arith.constant 0 : i32
          %lt3A_217 = arith.cmpi slt, %rem3A_213, %lt3A_216 : i32
          %lt3A_218 = arith.constant 0 : i32
          %lt3A_219 = arith.cmpi slt, %select_n3A_212, %lt3A_218 : i32
          %ne3A_220 = arith.xori %lt3A_217, %lt3A_219 : i1
          %and3A_221 = arith.andi %ne3A_220, %ne3A_215 : i1
          %add3A_222 = arith.addi %rem3A_213, %select_n3A_212 : i32
          %select_n3A_223 = arith.select %and3A_221, %add3A_222, %rem3A_213 : i32
          %mul3A_224 = arith.constant 40 : i32
          %mul3A_225 = arith.muli %select_n3A_223, %mul3A_224 : i32
          %dma_start3A = arith.constant 0 : i32
          %dma_start3A_226 = tpu.memref_slice %arg4[%select_n3A_207, %mul3A_225, %dma_start3A] : memref<50x1000x1024xf32, #tpu.memory_space<hbm>> -> memref<1x40x1024xf32, #tpu.memory_space<hbm>>
          %dma_start3A_227 = tpu.memref_squeeze %dma_start3A_226 : memref<1x40x1024xf32, #tpu.memory_space<hbm>> -> memref<40x1024xf32, #tpu.memory_space<hbm>>
          %dma_start3A_228 = arith.constant 0 : i32
          %dma_start3A_229 = tpu.memref_slice %arg4[%select_n3A_207, %mul3A_225, %dma_start3A_228] : memref<50x1000x1024xf32, #tpu.memory_space<hbm>> -> memref<1x40x1024xf32, #tpu.memory_space<hbm>>
          %dma_start3A_230 = tpu.memref_squeeze %dma_start3A_229 : memref<1x40x1024xf32, #tpu.memory_space<hbm>> -> memref<40x1024xf32, #tpu.memory_space<hbm>>
          tpu.enqueue_dma source(%arg7 : memref<40x1024xf32, #tpu.memory_space<vmem>>) target(%dma_start3A_230 : memref<40x1024xf32, #tpu.memory_space<hbm>>) target_semaphore(%arg9 : memref<!tpu.dma_semaphore, #tpu.memory_space<semaphore_mem>>)
        } else {
        }
        %eq3A_61 = arith.constant 1 : i32
        %eq3A_62 = arith.cmpi eq, %select_n3A_50, %eq3A_61 : i32
        %convert_element_type3A_63 = arith.extui %eq3A_62 : i1 to i32
        %cond3A_64 = arith.constant 0 : i32
        %cond3A_65 = arith.cmpi ne, %convert_element_type3A_63, %cond3A_64 : i32
        scf.if %cond3A_65 {
          %sub3A = arith.constant 64 : i32
          %sub3A_66 = arith.subi %add3A_40, %sub3A : i32
          %jit3A_67 = arith.constant 25 : i32
          %div3A = arith.divsi %sub3A_66, %jit3A_67 : i32
          %sign3A = arith.constant 0 : i32
          %sign3A_68 = arith.cmpi sgt, %sub3A_66, %sign3A : i32
          %sign3A_69 = arith.extui %sign3A_68 : i1 to i32
          %sign3A_70 = arith.constant 0 : i32
          %sign3A_71 = arith.cmpi slt, %sub3A_66, %sign3A_70 : i32
          %sign3A_72 = arith.extui %sign3A_71 : i1 to i32
          %sign3A_73 = arith.subi %sign3A_69, %sign3A_72 : i32
          %sign3A_74 = arith.constant 0 : i32
          %sign3A_75 = arith.cmpi sgt, %jit3A_67, %sign3A_74 : i32
          %sign3A_76 = arith.extui %sign3A_75 : i1 to i32
          %sign3A_77 = arith.constant 0 : i32
          %sign3A_78 = arith.cmpi slt, %jit3A_67, %sign3A_77 : i32
          %sign3A_79 = arith.extui %sign3A_78 : i1 to i32
          %sign3A_80 = arith.subi %sign3A_76, %sign3A_79 : i32
          %ne3A_81 = arith.cmpi ne, %sign3A_73, %sign3A_80 : i32
          %rem3A_82 = arith.remsi %sub3A_66, %jit3A_67 : i32
          %ne3A_83 = arith.constant 0 : i32
          %ne3A_84 = arith.cmpi ne, %rem3A_82, %ne3A_83 : i32
          %and3A_85 = arith.andi %ne3A_81, %ne3A_84 : i1
          %sub3A_86 = arith.constant 1 : i32
          %sub3A_87 = arith.subi %div3A, %sub3A_86 : i32
          %select_n3A_88 = arith.select %and3A_85, %sub3A_87, %div3A : i32
          %jit3A_89 = arith.constant 25 : i32
          %eq3A_90 = arith.constant 0 : i32
          %eq3A_91 = arith.cmpi eq, %jit3A_89, %eq3A_90 : i32
          %jit3A_92 = arith.constant 1 : i32
          %select_n3A_93 = arith.select %eq3A_91, %jit3A_92, %jit3A_89 : i32
          %rem3A_94 = arith.remsi %sub3A_66, %select_n3A_93 : i32
          %ne3A_95 = arith.constant 0 : i32
          %ne3A_96 = arith.cmpi ne, %rem3A_94, %ne3A_95 : i32
          %lt3A_97 = arith.constant 0 : i32
          %lt3A_98 = arith.cmpi slt, %rem3A_94, %lt3A_97 : i32
          %lt3A_99 = arith.constant 0 : i32
          %lt3A_100 = arith.cmpi slt, %select_n3A_93, %lt3A_99 : i32
          %ne3A_101 = arith.xori %lt3A_98, %lt3A_100 : i1
          %and3A_102 = arith.andi %ne3A_101, %ne3A_96 : i1
          %add3A_103 = arith.addi %rem3A_94, %select_n3A_93 : i32
          %select_n3A_104 = arith.select %and3A_102, %add3A_103, %rem3A_94 : i32
          %mul3A_105 = arith.constant 40 : i32
          %mul3A_106 = arith.muli %select_n3A_104, %mul3A_105 : i32
          %dma_wait3A = arith.constant 0 : i32
          %dma_wait3A_107 = tpu.memref_slice %arg4[%select_n3A_88, %mul3A_106, %dma_wait3A] : memref<50x1000x1024xf32, #tpu.memory_space<hbm>> -> memref<1x40x1024xf32, #tpu.memory_space<hbm>>
          %dma_wait3A_108 = tpu.memref_squeeze %dma_wait3A_107 : memref<1x40x1024xf32, #tpu.memory_space<hbm>> -> memref<40x1024xf32, #tpu.memory_space<hbm>>
          %dma_wait3A_109 = arith.constant 0 : i32
          %dma_wait3A_110 = tpu.memref_slice %arg4[%select_n3A_88, %mul3A_106, %dma_wait3A_109] : memref<50x1000x1024xf32, #tpu.memory_space<hbm>> -> memref<1x40x1024xf32, #tpu.memory_space<hbm>>
          %dma_wait3A_111 = tpu.memref_squeeze %dma_wait3A_110 : memref<1x40x1024xf32, #tpu.memory_space<hbm>> -> memref<40x1024xf32, #tpu.memory_space<hbm>>
          tpu.wait_dma2 semaphore(%arg10 : memref<!tpu.dma_semaphore, #tpu.memory_space<semaphore_mem>>) src(%arg8 : memref<40x1024xf32, #tpu.memory_space<vmem>>) dst(%dma_wait3A_111 : memref<40x1024xf32, #tpu.memory_space<hbm>>)
          %sub3A_112 = arith.constant 64 : i32
          %sub3A_113 = arith.subi %add3A_40, %sub3A_112 : i32
          %jit3A_114 = arith.constant 25 : i32
          %eq3A_115 = arith.constant 0 : i32
          %eq3A_116 = arith.cmpi eq, %jit3A_114, %eq3A_115 : i32
          %jit3A_117 = arith.constant 1 : i32
          %select_n3A_118 = arith.select %eq3A_116, %jit3A_117, %jit3A_114 : i32
          %rem3A_119 = arith.remsi %sub3A_113, %select_n3A_118 : i32
          %ne3A_120 = arith.constant 0 : i32
          %ne3A_121 = arith.cmpi ne, %rem3A_119, %ne3A_120 : i32
          %lt3A_122 = arith.constant 0 : i32
          %lt3A_123 = arith.cmpi slt, %rem3A_119, %lt3A_122 : i32
          %lt3A_124 = arith.constant 0 : i32
          %lt3A_125 = arith.cmpi slt, %select_n3A_118, %lt3A_124 : i32
          %ne3A_126 = arith.xori %lt3A_123, %lt3A_125 : i1
          %and3A_127 = arith.andi %ne3A_126, %ne3A_121 : i1
          %add3A_128 = arith.addi %rem3A_119, %select_n3A_118 : i32
          %select_n3A_129 = arith.select %and3A_127, %add3A_128, %rem3A_119 : i32
          %mul3A_130 = arith.constant 40 : i32
          %mul3A_131 = arith.muli %select_n3A_129, %mul3A_130 : i32
          %scan3A_132 = arith.constant 0 : i32
          %scan3A_133 = arith.constant 64 : i32
          %scan3A_134 = arith.addi %scan3A_132, %scan3A_133 : i32
          %scan3A_135 = arith.constant 1 : i32
          scf.for %scan3A_231 = %scan3A_132 to %scan3A_134 step %scan3A_135  : i32 {
            %mul3A_232 = arith.constant 1 : i32
            %mul3A_233 = arith.muli %scan3A_231, %mul3A_232 : i32
            %add3A_234 = arith.constant 0 : i32
            %add3A_235 = arith.addi %add3A_234, %mul3A_233 : i32
            %mul3A_236 = arith.constant 16 : i32
            %mul3A_237 = arith.muli %add3A_235, %mul3A_236 : i32
            %get3A = arith.index_cast %mul3A_237 : i32 to index
            %get3A_238 = tpu.vector_load %arg6[%get3A] {strides = array<i32>} : memref<1024xi32, #tpu.memory_space<vmem>>, vector<16xi32>,
            %ge3A = vector.broadcast %mul3A_131 : i32 to vector<16xi32>
            %ge3A_239 = arith.cmpi sge, %get3A_238, %ge3A : vector<16xi32>
            %add3A_240 = arith.constant 40 : i32
            %add3A_241 = arith.addi %mul3A_131, %add3A_240 : i32
            %lt3A_242 = vector.broadcast %add3A_241 : i32 to vector<16xi32>
            %lt3A_243 = arith.cmpi slt, %get3A_238, %lt3A_242 : vector<16xi32>
            %and3A_244 = arith.andi %ge3A_239, %lt3A_243 : vector<16xi1>
            %sub3A_245 = vector.broadcast %mul3A_131 : i32 to vector<16xi32>
            %sub3A_246 = arith.subi %get3A_238, %sub3A_245 : vector<16xi32>
            %mul3A_247 = arith.constant 16 : i32
            %mul3A_248 = arith.muli %add3A_235, %mul3A_247 : i32
            %add3A_249 = vector.broadcast %mul3A_248 : i32 to vector<16xi32>
            %add3A_250 = arith.addi %iota3A, %add3A_249 : vector<16xi32>
            tpu.vector_store_idx %arg8[%sub3A_246, %add3A_250], %broadcast_in_dim3A_3 masked %and3A_244 : memref<40x1024xf32, #tpu.memory_space<vmem>>[vector<16xi32>, vector<16xi32>], vector<16xf32>, vector<16xi1>
          }
          %scan3A_136 = arith.constant 64 : i32
          %jit3A_137 = arith.constant 25 : i32
          %div3A_138 = arith.divsi %add3A_40, %jit3A_137 : i32
          %sign3A_139 = arith.constant 0 : i32
          %sign3A_140 = arith.cmpi sgt, %add3A_40, %sign3A_139 : i32
          %sign3A_141 = arith.extui %sign3A_140 : i1 to i32
          %sign3A_142 = arith.constant 0 : i32
          %sign3A_143 = arith.cmpi slt, %add3A_40, %sign3A_142 : i32
          %sign3A_144 = arith.extui %sign3A_143 : i1 to i32
          %sign3A_145 = arith.subi %sign3A_141, %sign3A_144 : i32
          %sign3A_146 = arith.constant 0 : i32
          %sign3A_147 = arith.cmpi sgt, %jit3A_137, %sign3A_146 : i32
          %sign3A_148 = arith.extui %sign3A_147 : i1 to i32
          %sign3A_149 = arith.constant 0 : i32
          %sign3A_150 = arith.cmpi slt, %jit3A_137, %sign3A_149 : i32
          %sign3A_151 = arith.extui %sign3A_150 : i1 to i32
          %sign3A_152 = arith.subi %sign3A_148, %sign3A_151 : i32
          %ne3A_153 = arith.cmpi ne, %sign3A_145, %sign3A_152 : i32
          %rem3A_154 = arith.remsi %add3A_40, %jit3A_137 : i32
          %ne3A_155 = arith.constant 0 : i32
          %ne3A_156 = arith.cmpi ne, %rem3A_154, %ne3A_155 : i32
          %and3A_157 = arith.andi %ne3A_153, %ne3A_156 : i1
          %sub3A_158 = arith.constant 1 : i32
          %sub3A_159 = arith.subi %div3A_138, %sub3A_158 : i32
          %select_n3A_160 = arith.select %and3A_157, %sub3A_159, %div3A_138 : i32
          "tpu.region"() ({
            %run_scoped3A = tpu.sem_alloc : memref<!tpu.dma_semaphore, #tpu.memory_space<semaphore_mem>>
            %dma_start3A_231 = arith.constant 0 : i32
            %dma_start3A_232 = tpu.memref_slice %arg2[%select_n3A_160, %dma_start3A_231] : memref<50x1024xi32, #tpu.memory_space<hbm>> -> memref<1x1024xi32, #tpu.memory_space<hbm>>
            %dma_start3A_233 = tpu.memref_squeeze %dma_start3A_232 : memref<1x1024xi32, #tpu.memory_space<hbm>> -> memref<1024xi32, #tpu.memory_space<hbm>>
            %dma_start3A_234 = arith.constant 0 : i32
            %dma_start3A_235 = tpu.memref_slice %arg2[%select_n3A_160, %dma_start3A_234] : memref<50x1024xi32, #tpu.memory_space<hbm>> -> memref<1x1024xi32, #tpu.memory_space<hbm>>
            %dma_start3A_236 = tpu.memref_squeeze %dma_start3A_235 : memref<1x1024xi32, #tpu.memory_space<hbm>> -> memref<1024xi32, #tpu.memory_space<hbm>>
            tpu.enqueue_dma source(%dma_start3A_236 : memref<1024xi32, #tpu.memory_space<hbm>>) target(%arg6 : memref<1024xi32, #tpu.memory_space<vmem>>) target_semaphore(%run_scoped3A : memref<!tpu.dma_semaphore, #tpu.memory_space<semaphore_mem>>)
            %dma_wait3A_237 = arith.constant 0 : i32
            %dma_wait3A_238 = tpu.memref_slice %arg2[%select_n3A_160, %dma_wait3A_237] : memref<50x1024xi32, #tpu.memory_space<hbm>> -> memref<1x1024xi32, #tpu.memory_space<hbm>>
            %dma_wait3A_239 = tpu.memref_squeeze %dma_wait3A_238 : memref<1x1024xi32, #tpu.memory_space<hbm>> -> memref<1024xi32, #tpu.memory_space<hbm>>
            %dma_wait3A_240 = arith.constant 0 : i32
            %dma_wait3A_241 = tpu.memref_slice %arg2[%select_n3A_160, %dma_wait3A_240] : memref<50x1024xi32, #tpu.memory_space<hbm>> -> memref<1x1024xi32, #tpu.memory_space<hbm>>
            %dma_wait3A_242 = tpu.memref_squeeze %dma_wait3A_241 : memref<1x1024xi32, #tpu.memory_space<hbm>> -> memref<1024xi32, #tpu.memory_space<hbm>>
            tpu.wait_dma2 semaphore(%run_scoped3A : memref<!tpu.dma_semaphore, #tpu.memory_space<semaphore_mem>>) src(%dma_wait3A_242 : memref<1024xi32, #tpu.memory_space<hbm>>) dst(%arg6 : memref<1024xi32, #tpu.memory_space<vmem>>)
            tpu.yield
          }) : () -> ()
          %jit3A_161 = arith.constant 25 : i32
          %eq3A_162 = arith.constant 0 : i32
          %eq3A_163 = arith.cmpi eq, %jit3A_161, %eq3A_162 : i32
          %jit3A_164 = arith.constant 1 : i32
          %select_n3A_165 = arith.select %eq3A_163, %jit3A_164, %jit3A_161 : i32
          %rem3A_166 = arith.remsi %add3A_40, %select_n3A_165 : i32
          %ne3A_167 = arith.constant 0 : i32
          %ne3A_168 = arith.cmpi ne, %rem3A_166, %ne3A_167 : i32
          %lt3A_169 = arith.constant 0 : i32
          %lt3A_170 = arith.cmpi slt, %rem3A_166, %lt3A_169 : i32
          %lt3A_171 = arith.constant 0 : i32
          %lt3A_172 = arith.cmpi slt, %select_n3A_165, %lt3A_171 : i32
          %ne3A_173 = arith.xori %lt3A_170, %lt3A_172 : i1
          %and3A_174 = arith.andi %ne3A_173, %ne3A_168 : i1
          %add3A_175 = arith.addi %rem3A_166, %select_n3A_165 : i32
          %select_n3A_176 = arith.select %and3A_174, %add3A_175, %rem3A_166 : i32
          %mul3A_177 = arith.constant 40 : i32
          %mul3A_178 = arith.muli %select_n3A_176, %mul3A_177 : i32
          %scan3A_179 = arith.constant 0 : i32
          %scan3A_180 = arith.constant 64 : i32
          %scan3A_181 = arith.addi %scan3A_179, %scan3A_180 : i32
          %scan3A_182 = arith.constant 1 : i32
          scf.for %scan3A_231 = %scan3A_179 to %scan3A_181 step %scan3A_182  : i32 {
            %mul3A_232 = arith.constant 1 : i32
            %mul3A_233 = arith.muli %scan3A_231, %mul3A_232 : i32
            %add3A_234 = arith.constant 0 : i32
            %add3A_235 = arith.addi %add3A_234, %mul3A_233 : i32
            %mul3A_236 = arith.constant 16 : i32
            %mul3A_237 = arith.muli %add3A_235, %mul3A_236 : i32
            %get3A = arith.index_cast %mul3A_237 : i32 to index
            %get3A_238 = tpu.vector_load %arg6[%get3A] {strides = array<i32>} : memref<1024xi32, #tpu.memory_space<vmem>>, vector<16xi32>,
            %ge3A = vector.broadcast %mul3A_178 : i32 to vector<16xi32>
            %ge3A_239 = arith.cmpi sge, %get3A_238, %ge3A : vector<16xi32>
            %add3A_240 = arith.constant 40 : i32
            %add3A_241 = arith.addi %mul3A_178, %add3A_240 : i32
            %lt3A_242 = vector.broadcast %add3A_241 : i32 to vector<16xi32>
            %lt3A_243 = arith.cmpi slt, %get3A_238, %lt3A_242 : vector<16xi32>
            %and3A_244 = arith.andi %ge3A_239, %lt3A_243 : vector<16xi1>
            %sub3A_245 = vector.broadcast %mul3A_178 : i32 to vector<16xi32>
            %sub3A_246 = arith.subi %get3A_238, %sub3A_245 : vector<16xi32>
            %mul3A_247 = arith.constant 16 : i32
            %mul3A_248 = arith.muli %add3A_235, %mul3A_247 : i32
            %add3A_249 = vector.broadcast %mul3A_248 : i32 to vector<16xi32>
            %add3A_250 = arith.addi %iota3A, %add3A_249 : vector<16xi32>
            tpu.vector_store_idx %arg8[%sub3A_246, %add3A_250], %broadcast_in_dim3A_1 masked %and3A_244 : memref<40x1024xf32, #tpu.memory_space<vmem>>[vector<16xi32>, vector<16xi32>], vector<16xf32>, vector<16xi1>
          }
          %scan3A_183 = arith.constant 64 : i32
          %jit3A_184 = arith.constant 25 : i32
          %div3A_185 = arith.divsi %add3A_40, %jit3A_184 : i32
          %sign3A_186 = arith.constant 0 : i32
          %sign3A_187 = arith.cmpi sgt, %add3A_40, %sign3A_186 : i32
          %sign3A_188 = arith.extui %sign3A_187 : i1 to i32
          %sign3A_189 = arith.constant 0 : i32
          %sign3A_190 = arith.cmpi slt, %add3A_40, %sign3A_189 : i32
          %sign3A_191 = arith.extui %sign3A_190 : i1 to i32
          %sign3A_192 = arith.subi %sign3A_188, %sign3A_191 : i32
          %sign3A_193 = arith.constant 0 : i32
          %sign3A_194 = arith.cmpi sgt, %jit3A_184, %sign3A_193 : i32
          %sign3A_195 = arith.extui %sign3A_194 : i1 to i32
          %sign3A_196 = arith.constant 0 : i32
          %sign3A_197 = arith.cmpi slt, %jit3A_184, %sign3A_196 : i32
          %sign3A_198 = arith.extui %sign3A_197 : i1 to i32
          %sign3A_199 = arith.subi %sign3A_195, %sign3A_198 : i32
          %ne3A_200 = arith.cmpi ne, %sign3A_192, %sign3A_199 : i32
          %rem3A_201 = arith.remsi %add3A_40, %jit3A_184 : i32
          %ne3A_202 = arith.constant 0 : i32
          %ne3A_203 = arith.cmpi ne, %rem3A_201, %ne3A_202 : i32
          %and3A_204 = arith.andi %ne3A_200, %ne3A_203 : i1
          %sub3A_205 = arith.constant 1 : i32
          %sub3A_206 = arith.subi %div3A_185, %sub3A_205 : i32
          %select_n3A_207 = arith.select %and3A_204, %sub3A_206, %div3A_185 : i32
          %jit3A_208 = arith.constant 25 : i32
          %eq3A_209 = arith.constant 0 : i32
          %eq3A_210 = arith.cmpi eq, %jit3A_208, %eq3A_209 : i32
          %jit3A_211 = arith.constant 1 : i32
          %select_n3A_212 = arith.select %eq3A_210, %jit3A_211, %jit3A_208 : i32
          %rem3A_213 = arith.remsi %add3A_40, %select_n3A_212 : i32
          %ne3A_214 = arith.constant 0 : i32
          %ne3A_215 = arith.cmpi ne, %rem3A_213, %ne3A_214 : i32
          %lt3A_216 = arith.constant 0 : i32
          %lt3A_217 = arith.cmpi slt, %rem3A_213, %lt3A_216 : i32
          %lt3A_218 = arith.constant 0 : i32
          %lt3A_219 = arith.cmpi slt, %select_n3A_212, %lt3A_218 : i32
          %ne3A_220 = arith.xori %lt3A_217, %lt3A_219 : i1
          %and3A_221 = arith.andi %ne3A_220, %ne3A_215 : i1
          %add3A_222 = arith.addi %rem3A_213, %select_n3A_212 : i32
          %select_n3A_223 = arith.select %and3A_221, %add3A_222, %rem3A_213 : i32
          %mul3A_224 = arith.constant 40 : i32
          %mul3A_225 = arith.muli %select_n3A_223, %mul3A_224 : i32
          %dma_start3A = arith.constant 0 : i32
          %dma_start3A_226 = tpu.memref_slice %arg4[%select_n3A_207, %mul3A_225, %dma_start3A] : memref<50x1000x1024xf32, #tpu.memory_space<hbm>> -> memref<1x40x1024xf32, #tpu.memory_space<hbm>>
          %dma_start3A_227 = tpu.memref_squeeze %dma_start3A_226 : memref<1x40x1024xf32, #tpu.memory_space<hbm>> -> memref<40x1024xf32, #tpu.memory_space<hbm>>
          %dma_start3A_228 = arith.constant 0 : i32
          %dma_start3A_229 = tpu.memref_slice %arg4[%select_n3A_207, %mul3A_225, %dma_start3A_228] : memref<50x1000x1024xf32, #tpu.memory_space<hbm>> -> memref<1x40x1024xf32, #tpu.memory_space<hbm>>
          %dma_start3A_230 = tpu.memref_squeeze %dma_start3A_229 : memref<1x40x1024xf32, #tpu.memory_space<hbm>> -> memref<40x1024xf32, #tpu.memory_space<hbm>>
          tpu.enqueue_dma source(%arg8 : memref<40x1024xf32, #tpu.memory_space<vmem>>) target(%dma_start3A_230 : memref<40x1024xf32, #tpu.memory_space<hbm>>) target_semaphore(%arg10 : memref<!tpu.dma_semaphore, #tpu.memory_space<semaphore_mem>>)
        } else {
        }
      } else {
      }
    }
    %scan3A_18 = arith.constant 38 : i32
    %add3A_19 = arith.constant 0 : i32
    %add3A_20 = arith.addi %add3A, %add3A_19 : i32
    %lt3A_21 = arith.constant 1250 : i32
    %lt3A_22 = arith.cmpi slt, %add3A_20, %lt3A_21 : i32
    %convert_element_type3A_23 = arith.extui %lt3A_22 : i1 to i32
    %cond3A_24 = arith.constant 0 : i32
    %cond3A_25 = arith.cmpi ne, %convert_element_type3A_23, %cond3A_24 : i32
    scf.if %cond3A_25 {
      %jit3A = arith.constant 25 : i32
      %div3A = arith.divsi %add3A_20, %jit3A : i32
      %sign3A = arith.constant 0 : i32
      %sign3A_33 = arith.cmpi sgt, %add3A_20, %sign3A : i32
      %sign3A_34 = arith.extui %sign3A_33 : i1 to i32
      %sign3A_35 = arith.constant 0 : i32
      %sign3A_36 = arith.cmpi slt, %add3A_20, %sign3A_35 : i32
      %sign3A_37 = arith.extui %sign3A_36 : i1 to i32
      %sign3A_38 = arith.subi %sign3A_34, %sign3A_37 : i32
      %sign3A_39 = arith.constant 0 : i32
      %sign3A_40 = arith.cmpi sgt, %jit3A, %sign3A_39 : i32
      %sign3A_41 = arith.extui %sign3A_40 : i1 to i32
      %sign3A_42 = arith.constant 0 : i32
      %sign3A_43 = arith.cmpi slt, %jit3A, %sign3A_42 : i32
      %sign3A_44 = arith.extui %sign3A_43 : i1 to i32
      %sign3A_45 = arith.subi %sign3A_41, %sign3A_44 : i32
      %ne3A = arith.cmpi ne, %sign3A_38, %sign3A_45 : i32
      %rem3A = arith.remsi %add3A_20, %jit3A : i32
      %ne3A_46 = arith.constant 0 : i32
      %ne3A_47 = arith.cmpi ne, %rem3A, %ne3A_46 : i32
      %and3A = arith.andi %ne3A, %ne3A_47 : i1
      %sub3A = arith.constant 1 : i32
      %sub3A_48 = arith.subi %div3A, %sub3A : i32
      %select_n3A = arith.select %and3A, %sub3A_48, %div3A : i32
      %jit3A_49 = arith.constant 25 : i32
      %eq3A = arith.constant 0 : i32
      %eq3A_50 = arith.cmpi eq, %jit3A_49, %eq3A : i32
      %jit3A_51 = arith.constant 1 : i32
      %select_n3A_52 = arith.select %eq3A_50, %jit3A_51, %jit3A_49 : i32
      %rem3A_53 = arith.remsi %add3A_20, %select_n3A_52 : i32
      %ne3A_54 = arith.constant 0 : i32
      %ne3A_55 = arith.cmpi ne, %rem3A_53, %ne3A_54 : i32
      %lt3A_56 = arith.constant 0 : i32
      %lt3A_57 = arith.cmpi slt, %rem3A_53, %lt3A_56 : i32
      %lt3A_58 = arith.constant 0 : i32
      %lt3A_59 = arith.cmpi slt, %select_n3A_52, %lt3A_58 : i32
      %ne3A_60 = arith.xori %lt3A_57, %lt3A_59 : i1
      %and3A_61 = arith.andi %ne3A_60, %ne3A_55 : i1
      %add3A_62 = arith.addi %rem3A_53, %select_n3A_52 : i32
      %select_n3A_63 = arith.select %and3A_61, %add3A_62, %rem3A_53 : i32
      %mul3A_64 = arith.constant 40 : i32
      %mul3A_65 = arith.muli %select_n3A_63, %mul3A_64 : i32
      %dma_wait3A = arith.constant 0 : i32
      %dma_wait3A_66 = tpu.memref_slice %arg4[%select_n3A, %mul3A_65, %dma_wait3A] : memref<50x1000x1024xf32, #tpu.memory_space<hbm>> -> memref<1x40x1024xf32, #tpu.memory_space<hbm>>
      %dma_wait3A_67 = tpu.memref_squeeze %dma_wait3A_66 : memref<1x40x1024xf32, #tpu.memory_space<hbm>> -> memref<40x1024xf32, #tpu.memory_space<hbm>>
      %dma_wait3A_68 = arith.constant 0 : i32
      %dma_wait3A_69 = tpu.memref_slice %arg4[%select_n3A, %mul3A_65, %dma_wait3A_68] : memref<50x1000x1024xf32, #tpu.memory_space<hbm>> -> memref<1x40x1024xf32, #tpu.memory_space<hbm>>
      %dma_wait3A_70 = tpu.memref_squeeze %dma_wait3A_69 : memref<1x40x1024xf32, #tpu.memory_space<hbm>> -> memref<40x1024xf32, #tpu.memory_space<hbm>>
      tpu.wait_dma2 semaphore(%arg9 : memref<!tpu.dma_semaphore, #tpu.memory_space<semaphore_mem>>) src(%arg7 : memref<40x1024xf32, #tpu.memory_space<vmem>>) dst(%dma_wait3A_70 : memref<40x1024xf32, #tpu.memory_space<hbm>>)
    } else {
    }
    %add3A_26 = arith.constant 32 : i32
    %add3A_27 = arith.addi %add3A, %add3A_26 : i32
    %lt3A_28 = arith.constant 1250 : i32
    %lt3A_29 = arith.cmpi slt, %add3A_27, %lt3A_28 : i32
    %convert_element_type3A_30 = arith.extui %lt3A_29 : i1 to i32
    %cond3A_31 = arith.constant 0 : i32
    %cond3A_32 = arith.cmpi ne, %convert_element_type3A_30, %cond3A_31 : i32
    scf.if %cond3A_32 {
      %jit3A = arith.constant 25 : i32
      %div3A = arith.divsi %add3A_27, %jit3A : i32
      %sign3A = arith.constant 0 : i32
      %sign3A_33 = arith.cmpi sgt, %add3A_27, %sign3A : i32
      %sign3A_34 = arith.extui %sign3A_33 : i1 to i32
      %sign3A_35 = arith.constant 0 : i32
      %sign3A_36 = arith.cmpi slt, %add3A_27, %sign3A_35 : i32
      %sign3A_37 = arith.extui %sign3A_36 : i1 to i32
      %sign3A_38 = arith.subi %sign3A_34, %sign3A_37 : i32
      %sign3A_39 = arith.constant 0 : i32
      %sign3A_40 = arith.cmpi sgt, %jit3A, %sign3A_39 : i32
      %sign3A_41 = arith.extui %sign3A_40 : i1 to i32
      %sign3A_42 = arith.constant 0 : i32
      %sign3A_43 = arith.cmpi slt, %jit3A, %sign3A_42 : i32
      %sign3A_44 = arith.extui %sign3A_43 : i1 to i32
      %sign3A_45 = arith.subi %sign3A_41, %sign3A_44 : i32
      %ne3A = arith.cmpi ne, %sign3A_38, %sign3A_45 : i32
      %rem3A = arith.remsi %add3A_27, %jit3A : i32
      %ne3A_46 = arith.constant 0 : i32
      %ne3A_47 = arith.cmpi ne, %rem3A, %ne3A_46 : i32
      %and3A = arith.andi %ne3A, %ne3A_47 : i1
      %sub3A = arith.constant 1 : i32
      %sub3A_48 = arith.subi %div3A, %sub3A : i32
      %select_n3A = arith.select %and3A, %sub3A_48, %div3A : i32
      %jit3A_49 = arith.constant 25 : i32
      %eq3A = arith.constant 0 : i32
      %eq3A_50 = arith.cmpi eq, %jit3A_49, %eq3A : i32
      %jit3A_51 = arith.constant 1 : i32
      %select_n3A_52 = arith.select %eq3A_50, %jit3A_51, %jit3A_49 : i32
      %rem3A_53 = arith.remsi %add3A_27, %select_n3A_52 : i32
      %ne3A_54 = arith.constant 0 : i32
      %ne3A_55 = arith.cmpi ne, %rem3A_53, %ne3A_54 : i32
      %lt3A_56 = arith.constant 0 : i32
      %lt3A_57 = arith.cmpi slt, %rem3A_53, %lt3A_56 : i32
      %lt3A_58 = arith.constant 0 : i32
      %lt3A_59 = arith.cmpi slt, %select_n3A_52, %lt3A_58 : i32
      %ne3A_60 = arith.xori %lt3A_57, %lt3A_59 : i1
      %and3A_61 = arith.andi %ne3A_60, %ne3A_55 : i1
      %add3A_62 = arith.addi %rem3A_53, %select_n3A_52 : i32
      %select_n3A_63 = arith.select %and3A_61, %add3A_62, %rem3A_53 : i32
      %mul3A_64 = arith.constant 40 : i32
      %mul3A_65 = arith.muli %select_n3A_63, %mul3A_64 : i32
      %dma_wait3A = arith.constant 0 : i32
      %dma_wait3A_66 = tpu.memref_slice %arg4[%select_n3A, %mul3A_65, %dma_wait3A] : memref<50x1000x1024xf32, #tpu.memory_space<hbm>> -> memref<1x40x1024xf32, #tpu.memory_space<hbm>>
      %dma_wait3A_67 = tpu.memref_squeeze %dma_wait3A_66 : memref<1x40x1024xf32, #tpu.memory_space<hbm>> -> memref<40x1024xf32, #tpu.memory_space<hbm>>
      %dma_wait3A_68 = arith.constant 0 : i32
      %dma_wait3A_69 = tpu.memref_slice %arg4[%select_n3A, %mul3A_65, %dma_wait3A_68] : memref<50x1000x1024xf32, #tpu.memory_space<hbm>> -> memref<1x40x1024xf32, #tpu.memory_space<hbm>>
      %dma_wait3A_70 = tpu.memref_squeeze %dma_wait3A_69 : memref<1x40x1024xf32, #tpu.memory_space<hbm>> -> memref<40x1024xf32, #tpu.memory_space<hbm>>
      tpu.wait_dma2 semaphore(%arg10 : memref<!tpu.dma_semaphore, #tpu.memory_space<semaphore_mem>>) src(%arg8 : memref<40x1024xf32, #tpu.memory_space<vmem>>) dst(%dma_wait3A_70 : memref<40x1024xf32, #tpu.memory_space<hbm>>)
    } else {
    }
    return
  }
}

</mosaic_0001>

<sc_bundles>
// kernel: kernel.3.cloned.1.call-start
scs
__scs_entry_jumppad:
0x0: {  	(pc) =	sbr.rel $0x88, $3  }
0x1: {  	(tag) =	ssettag $0x0;
	lr =	simm.s32 $0x1  }
0x2: {  	[smem:$0x3FA0] =	sst lr;
	_ =	strace $0xD0000000  }
0x3: {  	_ = 	snop  }
0x4: {  	_ = 	snop  }
0x5: {  	_ = 	snop  }
0x6: {  	_ = 	snop  }
0x7: {  	_ = 	snop  }
__scs_overlays_trampoline_lowered:
0x8: {  	[smem:$0x3FAF] =	sst s0  }
0x9: {  	[smem:$0x3FB0] =	sst s1  }
0xa: {  	[smem:$0x3FB1] =	sst s2  }
0xb: {  	[smem:$0x3FB2] =	sst s3  }
0xc: {  	[smem:$0x3FB3] =	sst s4  }
0xd: {  	[smem:$0x3FB4] =	sst s5  }
0xe: {  	[smem:$0x3FB5] =	sst s6  }
0xf: {  	[smem:$0x3FB6] =	sst s7  }
0x10: {  	[smem:$0x3FB7] =	sst s8  }
0x11: {  	[smem:$0x3FB8] =	sst s9;
	s0 =	simm.s32 @!p0 $0x0  }
0x12: {  	s1 =	sld [smem:$0x3F9E];
	s0 =	simm.s32 @p0 $0x1  }
0x13: {  	[smem:$0x3FB9] =	sst s0;
	s0 =	simm.s32 @!p1 $0x0  }
0x14: {  	s2 =	sld [smem:$0x3F9D];
	s0 =	simm.s32 @p1 $0x1  }
0x15: {  	[smem:$0x3FBA] =	sst s0;
	s0 =	simm.s32 @!p2 $0x0  }
0x16: {  	s3 =	sld [smem:$0x3FDB];
	s0 =	simm.s32 @p2 $0x1  }
0x17: {  	s4 =	simm.s32 $0x1BF5;
	[smem:$0x3FBC] =	sst s0  }
0x18: {  	s0 =	sld [smem:$0x3F9F];
	_ =	swait.ge [sflag:s4], $0x0  }
0x19: {  	s7 =	sld [smem:$0x3FA0]  }
0x1a: {  	s8 =	sadd.s32 $0xFFFFE003, lr  }
0x1b: {  	s9 =	sadd.s32 $0xFFFFFEF7, lr;
	s5 =	simm.s32 $0xFFFFFFFF;
	p2 =	slt.u32 s8, $0xFFFFF086  }
0x1c: {  	p1 =	slt.u32 s9, $0xF7A;
	s5 =	simm.s32 @!p2 $0x0  }
0x1d: {  	s5 =	simm.s32 @p1 $0x1;
	p0 =	seq.s32 s7, s2  }
0x1e: {  	s7 =	smul.u32 @!p0 $0xF7A, s2;
	p2 =	seq.s32 @!p0 s5, $0x0  }
0x1f: {  	s9 =	smul.u32 $0xF7A, s1;
	s8 =	simm.s32 @!p0 $0x1BF5;
	p2 =	por !p2, p0  }
0x20: {  	[sflag:s8] =	ssyncset.s32 @!p0 $0xFFFFF086;
	s6 =	sadd.s32 @!p0 s3, s7;
	s7 =	simm.s32 @!p0 $0x108  }
0x21: {  	s3 =	sadd.s32 s3, s9;
	s6 =	sadd.s32 @!p0 $0x88, s6;
	s7 =	simm.s32 @p2 $0x1082  }
0x22: {  	[simem:s7], [sflag:s8] =	dma.local @!p0 [hbm:s6], $0xF7A  }
0x23: {  	s9 =	sor.u32 $0xD0000000, s2;
	s6 =	simm.s32 $0x108;
	_ =	swait.ge @!p0 [sflag:s8], $0x0  }
0x24: {  	s3 =	sadd.s32 $0x88, s3;
	s6 =	simm.s32 @!p1 $0x1082;
	[sflag:s4] =	ssyncset.s32 $0xFFFFF086  }
0x25: {  	[simem:s6], [sflag:s4] =	dma.local [hbm:s3], $0xF7A  }
0x26: {  	[smem:$0x3FA0] =	sst s1;
	(tag) =	ssettag s2;
	_ =	strace s9  }
0x27: {  	s1 =	sld [smem:$0x3FB0]  }
0x28: {  	s2 =	sld [smem:$0x3FB1]  }
0x29: {  	s4 =	sld [smem:$0x3FB3]  }
0x2a: {  	p0 =	seq.s32 s5, $0x0;
	s5 =	sld [smem:$0x3FB4]  }
0x2b: {  	s6 =	sld [smem:$0x3FB5]  }
0x2c: {  	s7 =	sld [smem:$0x3FB6]  }
0x2d: {  	s3 =	simm.s32 $0x108;
	s8 =	sld [smem:$0x3FB7]  }
0x2e: {  	s3 =	simm.s32 @!p0 $0x1082;
	s9 =	sld [smem:$0x3FB8]  }
0x2f: {  	lr =	sadd.s32 s0, s3;
	s0 =	sld [smem:$0x3FAF]  }
0x30: {  	s3 =	sld [smem:$0x3FB2]  }
0x31: {  	[smem:$0x3FBB] =	sst s10  }
0x32: {  	s10 =	sld [smem:$0x3FB9];
	_ =	sdelay $0x3  }
0x33: {  	p0 =	seq.s32 s10, $0x1;
	s10 =	sld [smem:$0x3FBB];
	_ =	sdelay $0x3  }
0x34: {  	[smem:$0x3FBB] =	sst s10  }
0x35: {  	s10 =	sld [smem:$0x3FBA];
	_ =	sdelay $0x3  }
0x36: {  	p1 =	seq.s32 s10, $0x1;
	s10 =	sld [smem:$0x3FBB];
	_ =	sdelay $0x3  }
0x37: {  	[smem:$0x3FBB] =	sst s10  }
0x38: {  	s10 =	sld [smem:$0x3FBC]  }
0x39: {  	_ = 	snop;
	(pc) =	sbr.ind lr, $3  }
0x3a: {  	_ = 	snop  }
0x3b: {  	_ = 	snop  }
0x3c: {  	p2 =	seq.s32 s10, $0x1;
	s10 =	sld [smem:$0x3FBB]  }
0x3d: {  	_ =	shalt  }
0x3e: {  	_ =	shalt  }
0x3f: {  	_ =	shalt  }
0x40: {  	_ =	shalt  }
0x41: {  	_ =	shalt  }
0x42: {  	_ =	shalt  }
0x43: {  	_ =	shalt  }
0x44: {  	_ =	shalt  }
0x45: {  	_ =	shalt  }
0x46: {  	_ =	shalt  }
0x47: {  	_ =	shalt  }
0x48: {  	_ =	shalt  }
0x49: {  	_ =	shalt  }
0x4a: {  	_ =	shalt  }
0x4b: {  	_ =	shalt  }
0x4c: {  	_ =	shalt  }
0x4d: {  	_ =	shalt  }
0x4e: {  	_ =	shalt  }
0x4f: {  	_ =	shalt  }
0x50: {  	_ =	shalt  }
0x51: {  	_ =	shalt  }
0x52: {  	_ =	shalt  }
0x53: {  	_ =	shalt  }
0x54: {  	_ =	shalt  }
0x55: {  	_ =	shalt  }
0x56: {  	_ =	shalt  }
0x57: {  	_ =	shalt  }
0x58: {  	_ =	shalt  }
0x59: {  	_ =	shalt  }
0x5a: {  	_ =	shalt  }
0x5b: {  	_ =	shalt  }
0x5c: {  	_ =	shalt  }
0x5d: {  	_ =	shalt  }
0x5e: {  	_ =	shalt  }
0x5f: {  	_ =	shalt  }
0x60: {  	_ =	shalt  }
0x61: {  	_ =	shalt  }
0x62: {  	_ =	shalt  }
0x63: {  	_ =	shalt  }
0x64: {  	_ =	shalt  }
0x65: {  	_ =	shalt  }
0x66: {  	_ =	shalt  }
0x67: {  	_ =	shalt  }
0x68: {  	_ =	shalt  }
0x69: {  	_ =	shalt  }
0x6a: {  	_ =	shalt  }
0x6b: {  	_ =	shalt  }
0x6c: {  	_ =	shalt  }
0x6d: {  	_ =	shalt  }
0x6e: {  	_ =	shalt  }
0x6f: {  	_ =	shalt  }
0x70: {  	_ =	shalt  }
0x71: {  	_ =	shalt  }
0x72: {  	_ =	shalt  }
0x73: {  	_ =	shalt  }
0x74: {  	_ =	shalt  }
0x75: {  	_ =	shalt  }
0x76: {  	_ =	shalt  }
0x77: {  	_ =	shalt  }
0x78: {  	_ =	shalt  }
0x79: {  	_ =	shalt  }
0x7a: {  	_ =	shalt  }
0x7b: {  	_ =	shalt  }
0x7c: {  	_ =	shalt  }
0x7d: {  	_ =	shalt  }
0x7e: {  	_ =	shalt  }
0x7f: {  	_ =	shalt  }
0x80: {  	_ =	shalt  }
0x81: {  	_ =	shalt  }
0x82: {  	_ =	shalt  }
0x83: {  	_ =	shalt  }
0x84: {  	_ =	shalt  }
0x85: {  	_ =	shalt  }
0x86: {  	_ =	shalt  }
0x87: {  	_ =	shalt  }
.Lfunc_end0:
.L_simem_size_0:
called_computation_lowered:
.L_overlay_start_0:
0x88: {  	s2 =	sld [smem:$0x3FD9]  }
0x89: {  	s3 =	sld [smem:$0x3FFE];
	_ =	sdelay $0x1  }
0x8a: {  	s1 =	srdreg.scid  }
0x8b: {  	s0 =	sand.u32 $0x1, s1  }
0x8c: {  	s17 =	sshll.u32 s0, $0xA;
	s2 =	sadd.s32 s3, s2  }
0x8d: {  	s2 =	sadd.s32 s2, s17  }
0x8e: {  	[smem:$0x3FC7] =	sst s2  }
0x8f: {  	_ = 	snop  }
0x90: {  	s2 =	sld [smem:$0x3FC9]  }
0x91: {  	s18 =	sld [smem:$0x3FD0];
	(tm) =	ssettm $0x1  }
0x92: {  	s4 =	sld [smem:$0x3FFB];
	_ =	sdelay $0x3  }
0x93: {  	_ =	strace s4  }
0x94: {  	s4 =	sld [smem:$0x3FFC];
	_ =	sdelay $0x3  }
0x95: {  	_ =	strace s4  }
0x96: {  	s4 =	sld [smem:$0x3FFD];
	_ =	sdelay $0x3  }
0x97: {  	_ =	strace s4  }
0x98: {  	_ =	strace $0x8FFFFFFF  }
0x99: {  	s19 =	sld [smem:$0x3FDB];
	_ =	sdelay $0x1  }
0x9a: {  	s5 =	simm.s32 $_scs_section_size  }
0x9b: {  	s6 =	simm.s32 $_size__tile_overlayer_lowered;
	s7 =	simm.s32 $_tile_overlayer_lowered  }
0x9c: {  	s22 =	simm.s32 $0x1BFF;
	s21 =	sshll.u32 s7, $0x1;
	s4 =	sadd.s32 s5, s19  }
0x9d: {  	s8 =	simm.s32 $0x0;
	s20 =	sshll.u32 s6, $0x1;
	s6 =	sadd.s32 s21, s4  }
0x9e: {  	[timem:s8], [sflag:s22] =	dma.local [hbm:s6], s20  }
0x9f: {  	_ =	swait.ge [sflag:s22], s20  }
0xa0: {  	s5 =	ssub.s32 $0x0, s20;
	[sflag:s22] =	ssyncset.done $0x0  }
0xa1: {  	[sflag:s22] =	ssyncadd.s32 s5;
	_ =	sdelay $0x1  }
0xa2: {  	s23 =	simm.s32 $0x1B8B  }
0xa3: {  	_ =	swait.ge [sflag:s23], $0x1  }
0xa4: {  	[sflag:s23] =	ssyncset.done $0x0  }
0xa5: {  	s25 =	simm.s32 $0x1B8E;
	s24 =	sld [smem:$0x3FFE];
	[sflag:s23] =	ssyncadd.s32 $0xFFFFFFFF  }
0xa6: {  	s26 =	simm.s32 $execute0_lowered;
	[smem:$0x3FD2] =	sst s25  }
0xa7: {  	s6 =	sshll.u32 s26, $0x1;
	_ =	strace $0x80000046;
	[dreg:$0x1] =	wrdreg $0xFFFFFFFF  }
0xa8: {  	s28 =	simm.s32 $_size_execute0_lowered;
	s4 =	sadd.s32 s4, s6;
	[dreg:$0x0] =	wrdreg $0x0  }
0xa9: {  	s6 =	sshll.u32 s28, $0x1;
	[dreg:$0x2] =	wrdreg s4  }
0xaa: {  	[dreg:$0x3] =	wrdreg s6  }
0xab: {  	[dreg:$0x4] =	wrdreg $0xC0  }
0xac: {  	_ =	task [dreg:s8], $0x5FFFF  }
0xad: {  	[dreg:$0x1] =	wrdreg $0xFFFFFFFF  }
0xae: {  	[dreg:$0x0] =	wrdreg $0x60  }
0xaf: {  	[dreg:$0x2] =	wrdreg s2  }
0xb0: {  	[dreg:$0x3] =	wrdreg s24  }
0xb1: {  	[dreg:$0x4] =	wrdreg s18  }
0xb2: {  	[dreg:$0x5] =	wrdreg $0x9  }
0xb3: {  	_ =	task.clear_ibuf [dreg:s8], $0x6FFFF;
	_ =	strace $0x90000046  }
0xb4: {  	s29 =	simm.s32 $0x9;
	_ =	strace $0x80000048  }
0xb5: {  	_ =	swait.ge [sflag:s29], $0x1  }
0xb6: {  	[sflag:s29] =	ssyncadd.s32 $0xFFFFFFFF  }
0xb7: {  	_ =	strace $0x90000048  }
0xb8: {  	_ =	sfence  }
0xb9: {  	s30 =	sld [smem:$0x0];
	_ =	sdelay $0x2  }
0xba: {  	s31 =	sshll.u32 s1, $0xD;
	s1 =	sshrl.u32 s1, $0x2  }
0xbb: {  	s3 =	sand.u32 $0x4000, s31;
	s1 =	sadd.s32 s1, s30  }
0xbc: {  	s0 =	sor.u32 s3, s0;
	s1 =	sshll.u32 s1, $0x11  }
0xbd: {  	s0 =	sor.u32 s1, s0  }
0xbe: {  	s0 =	sadd.s32 $0x8F2B, s0  }
0xbf: {  	[sflag:s0] =	ssyncadd.remote.s32 $0x1  }
0xc0: {  	_ =	sfence.sel $0xFFFF  }
0xc1: {  	[dreg:$0x0] =	wrdreg $0xFFFFFFFF;
	(pc) =	sbr.abs _section_cstart, $3  }
0xc2: {  	[dreg:$0x1] =	wrdreg $0xFFFFFFFF  }
0xc3: {  	_ =	task.clear_ibuf [dreg:s8], $0x2FFFF;
	_ =	strace $0x9FFFFFFF  }
0xc4: {  	(tm) =	ssettm $0x7FFFFFFF  }
0xc5: {  	_ =	shalt  }
tec
execute0_lowered:
.L_overlay_start_1:
0x0: {  	(tag) =	ssettag $0x1  }
0x1: {  	s2 =	srdreg.scid;
	s1 =	rddreg [dreg:$0x0]  }
0x2: {  	s0 =	stileid.u32;
	s7 =	rddreg [dreg:$0x1]  }
0x3: {  	s4 =	rddreg [dreg:$0x2];
	s6 =	sand.u32 $0x1, s2;
	s26 =	sshll.u32 s0, $0x1  }
0x4: {  	s5 =	simm.s32 $0x0;
	s13 =	simm.s32 $0x10;
	s3 =	sor.u32 s6, s26  }
0x5: {  	s20 =	simm.s32 $0x0;
	s2 =	rddreg [dreg:$0x3];
	s8 =	sor.u32 $0x20, s3  }
0x6: {  	[smem:$0x7FF] =	sst s5;
	s10 =	ssub.s32 $0x2, s6;
	s9 =	sand.u32 $0xFF, s8  }
0x7: {  	_ =	strace $0x80000047;
	s11 =	sadd.s32 $0xFFFFFFE7, s3;
	s9 =	smul.u32 $0x29, s9  }
0x8: {  	s6 =	sadd.s32 $0x400, s7;
	s28 =	sshrl.u32 s10, $0x1;
	s11 =	smin.u32 s3, s11  }
0x9: {  	p0 =	sgt.u32 s3, $0x18;
	s16 =	smul.u32 $0x28, s11;
	s12 =	sshrl.u32 s9, $0xA  }
0xa: {  	s15 =	ssub.s32 s10, s28;
	s10 =	simm.s32 $0xFA000;
	s14 =	smul.u32 $0x19, s12  }
0xb: {  	s13 =	simm.s32 @!p0 $0x0;
	s11 =	smul.u32 $0xA000, s11;
	s10 =	simm.s32 @!p0 $0x0  }
0xc: {  	s7 =	sadd.s32 s1, s13;
	s13 =	simm.s32 $0x800;
	s29 =	ssub.s32 s8, s14  }
0xd: {  	s10 =	sadd.s32 s11, s10;
	s12 =	smul.u32 $0xFA000, s12;
	s8 =	sand.u32 $0xFF, s29  }
0xe: {  	s17 =	sadd.s32 $0x28, s16;
	s9 =	sshrl.u32 s9, $0x6;
	s30 =	smul.u32 $0xA000, s8  }
0xf: {  	v0 =	vmov s16;
	s16 =	simm.s32 $0x80;
	s10 =	sshrl.u32 s10, $0x3;
	s18 =	smul.u32 $0x28, s8  }
.Ltmp0:
0x10: {  	s9 =	sand.u32 $0x70, s9;
	v1 =	vmov s17;
	s17 =	simm.s32 $0x400;
	(pc) =	sbr.rel .LBB2_1-.Ltmp0, $4  }
0x11: {  	s9 =	sadd.s32 s1, s9;
	s14 =	simm.s32 $0x3;
	s8 =	sadd.s32 s4, s10  }
0x12: {  	s11 =	sadd.s32 s30, s12;
	s19 =	sadd.s32 $0x28, s18;
	s12 =	smax.u32 s15, $0x1  }
0x13: {  	v4 =	vlaneseq.u32;
	v2 =	vmov s18;
	s15 =	simm.s32 $0xA800;
	s18 =	simm.s32 $0x2;
	s31 =	sshrl.u32 s11, $0x3  }
0x14: {  	v5 =	vimm.f32 $1.000000000e+00;
	v6 =	vimm.f32 $0.0e+00;
	s11 =	sor.u32 $0x40, s3;
	v3 =	vmov s19;
	s19 =	simm.s32 $0x1;
	s10 =	sadd.s32 s4, s31  }
.LBB2_19:
0x15: {  	s20 =	sadd.s32 $0x1, s20  }
0x16: {  	_ =	swait.ge [sflag:s19], $0xA000;
	p0 =	sne.s32 s20, s12  }
.Ltmp1:
0x17: {  	[sflag:s19] =	ssyncset.done $0x0;
	(pc) =	sbr.rel @!p0 .LBB2_20-.Ltmp1, $4  }
0x18: {  	[sflag:s19] =	ssyncadd.s32 $0xFFFF6000  }
0x19: {  	_ =	swait.ge [sflag:s18], $0xA000  }
0x1a: {  	[sflag:s18] =	ssyncset.done $0x0  }
0x1b: {  	[sflag:s18] =	ssyncadd.s32 $0xFFFF6000  }
.LBB2_1:
0x1c: {  	[tilespmem:s13], [sflag:$0x3] =	stream.linear.gather [hbm4b:s6+s5], $0xA000, $0x38;
	[tilespmem:$0x14800] =	vst v63  }
0x1d: {  	_ =	swait.ge [sflag:s14], $0xA000  }
0x1e: {  	[sflag:s14] =	ssyncset.done $0x0  }
0x1f: {  	[sflag:s14] =	ssyncadd.s32 $0xFFFF6000  }
0x20: {  	[tilespmem:s15], [sflag:$0x3] =	stream.linear.gather [hbm4b:s6+s5], $0xA000, $0x38;
	[tilespmem:$0x14800] =	vst v63  }
0x21: {  	_ =	swait.ge [sflag:s14], $0xA000  }
0x22: {  	[sflag:s14] =	ssyncset.done $0x0  }
0x23: {  	[sflag:s14] =	ssyncadd.s32 $0xFFFF6000  }
0x24: {  	[tilespmem:s5], [sflag:$0x3] =	stream.strided.gather [hbm4b:s7+s16], $0x400, s17, s16, $0x38;
	[tilespmem:$0x14800] =	vst v63  }
0x25: {  	_ =	swait.ge [sflag:s14], $0x400  }
0x26: {  	[sflag:s14] =	ssyncset.done $0x0  }
0x27: {  	[sflag:s14] =	ssyncadd.s32 $0xFFFFFC00  }
0x28: {  	s21 =	simm.s32 $0x10;
	s22 =	simm.s32 $0x0;
	s23 =	simm.s32 $0x0;
	v7 =	vld [tilespmem:s5+$0x0]  }
.LBB2_2:
0x29: {  	p0 =	sne.s32 s21, $0x3F0;
	v8 =	vmov s22  }
0x2a: {  	v9 =	vor.u32 s22, v4;
	s22 =	smov.u32 s21;
	v8 =	vshll.u32 v8, $0x3  }
0x2b: {  	v9 =	vand.u32 $0x7F, v9;
	v8 =	vand.u32 $0x1C00, v8  }
0x2c: {  	v8 =	vor.u32 v8, v9  }
0x2d: {  	vm0 =	vge.s32 v7, v0;
	v9 =	vsub.s32 v7, v0;
	v10 =	vshll.u32 v7, $0x7  }
0x2e: {  	vm1 =	vlt.s32 v7, v1;
	v7 =	vshll.u32 v9, $0xA;
	v9 =	vand.u32 $0x380, v10  }
0x2f: {  	vm0 =	vmand vm0, vm1;
	v7 =	vand.u32 $0xFFFFE000, v7;
	v8 =	vor.u32 v9, v8  }
0x30: {  	v7 =	vor.u32 v7, v8;
	_ =	sdelay $0x1  }
.Ltmp2:
0x31: {  	(pc) =	sbr.rel @p0 .LBB2_2-.Ltmp2, $3  }
0x32: {  	_ =	sdelay $0x1  }
0x33: {  	s23 =	sadd.s32 $0x10, s23;
	[tilespmem:v7+s13+$0x0] =	vst.idx.msk vm0, v5  }
0x34: {  	s21 =	sadd.s32 $0x10, s21;
	v7 =	vld [tilespmem:s23+$0x0]  }
0x35: {  	v8 =	vmov s22  }
0x36: {  	v9 =	vor.u32 s22, v4;
	v8 =	vshll.u32 v8, $0x3  }
0x37: {  	v9 =	vand.u32 $0x7F, v9;
	v8 =	vand.u32 $0x1C00, v8  }
0x38: {  	v8 =	vor.u32 v8, v9  }
0x39: {  	vm0 =	vge.s32 v7, v0;
	v62 =	vsub.s32 v7, v0;
	v10 =	vshll.u32 v7, $0x7  }
0x3a: {  	vm1 =	vlt.s32 v7, v1;
	v7 =	vshll.u32 v62, $0xA;
	v63 =	vand.u32 $0x380, v10  }
0x3b: {  	vm0 =	vmand vm0, vm1;
	v7 =	vand.u32 $0xFFFFE000, v7;
	v8 =	vor.u32 v63, v8  }
0x3c: {  	v7 =	vor.u32 v7, v8;
	_ =	sdelay $0x4  }
0x3d: {  	s21 =	simm.s32 $0x0;
	[tilespmem:v7+s13+$0x0] =	vst.idx.msk vm0, v5  }
0x3e: {  	[hbm4b:s8+s21] =	stream.linear.scatter [tilespmem:s13], [sflag:$0x1], $0xA000, $0x38;
	[tilespmem:$0x14800] =	vst v63  }
0x3f: {  	s22 =	simm.s32 $0x400  }
0x40: {  	[tilespmem:s22], [sflag:$0x3] =	stream.strided.gather [hbm4b:s9+s16], $0x400, s22, s16, $0x38;
	[tilespmem:$0x14800] =	vst v63  }
0x41: {  	_ =	swait.ge [sflag:s14], $0x400  }
0x42: {  	[sflag:s14] =	ssyncset.done $0x0  }
0x43: {  	[sflag:s14] =	ssyncadd.s32 $0xFFFFFC00  }
0x44: {  	s23 =	simm.s32 $0x10;
	v7 =	vld [tilespmem:s22+$0x0]  }
.LBB2_4:
0x45: {  	p0 =	sne.s32 s23, $0x3F0;
	v8 =	vmov s21  }
0x46: {  	v9 =	vor.u32 s21, v4;
	s21 =	smov.u32 s23;
	v8 =	vshll.u32 v8, $0x3  }
0x47: {  	v9 =	vand.u32 $0x7F, v9;
	v8 =	vand.u32 $0x1C00, v8  }
0x48: {  	v8 =	vor.u32 v8, v9  }
0x49: {  	vm0 =	vge.s32 v7, v2;
	v9 =	vsub.s32 v7, v2;
	v10 =	vshll.u32 v7, $0x7  }
0x4a: {  	vm1 =	vlt.s32 v7, v3;
	v7 =	vshll.u32 v9, $0xA;
	v9 =	vand.u32 $0x380, v10  }
0x4b: {  	vm0 =	vmand vm0, vm1;
	v7 =	vand.u32 $0xFFFFE000, v7;
	v8 =	vor.u32 v9, v8  }
0x4c: {  	v7 =	vor.u32 v7, v8;
	_ =	sdelay $0x1  }
.Ltmp3:
0x4d: {  	(pc) =	sbr.rel @p0 .LBB2_4-.Ltmp3, $3  }
0x4e: {  	_ =	sdelay $0x1  }
0x4f: {  	s22 =	sadd.s32 $0x10, s22;
	[tilespmem:v7+s15+$0x0] =	vst.idx.msk vm0, v5  }
0x50: {  	s23 =	sadd.s32 $0x10, s23;
	v7 =	vld [tilespmem:s22+$0x0]  }
0x51: {  	v8 =	vmov s21  }
0x52: {  	v9 =	vor.u32 s21, v4;
	v8 =	vshll.u32 v8, $0x3  }
0x53: {  	v9 =	vand.u32 $0x7F, v9;
	v8 =	vand.u32 $0x1C00, v8  }
0x54: {  	v8 =	vor.u32 v8, v9  }
0x55: {  	vm0 =	vge.s32 v7, v2;
	v62 =	vsub.s32 v7, v2;
	v10 =	vshll.u32 v7, $0x7  }
0x56: {  	vm1 =	vlt.s32 v7, v3;
	v7 =	vshll.u32 v62, $0xA;
	v63 =	vand.u32 $0x380, v10  }
0x57: {  	vm0 =	vmand vm0, vm1;
	v7 =	vand.u32 $0xFFFFE000, v7;
	v8 =	vor.u32 v63, v8  }
0x58: {  	v7 =	vor.u32 v7, v8;
	_ =	sdelay $0x1  }
.Ltmp4:
0x59: {  	_ = 	snop;
	(pc) =	sbr.rel .LBB2_6-.Ltmp4, $3  }
0x5a: {  	_ =	sdelay $0x1  }
0x5b: {  	s21 =	simm.s32 $0x0;
	[tilespmem:v7+s15+$0x0] =	vst.idx.msk vm0, v5  }
0x5c: {  	[hbm4b:s10+s21] =	stream.linear.scatter [tilespmem:s15], [sflag:$0x2], $0xA000, $0x38;
	[tilespmem:$0x14800] =	vst v63  }
.LBB2_18:
0x5d: {  	s21 =	sadd.s32 $0x1, s21  }
0x5e: {  	p0 =	sne.s32 s21, $0x26  }
.Ltmp5:
0x5f: {  	_ = 	snop;
	(pc) =	sbr.rel @!p0 .LBB2_19-.Ltmp5, $1  }
0x60: {  	_ =	sdelay $0x3  }
.LBB2_6:
0x61: {  	s23 =	sshll.u32 s21, $0x5  }
0x62: {  	s22 =	sadd.s32 s11, s23  }
0x63: {  	p0 =	sgt.u32 s22, $0x4E1  }
.Ltmp6:
0x64: {  	_ = 	snop;
	(pc) =	sbr.rel @p0 .LBB2_18-.Ltmp6, $1  }
0x65: {  	_ =	sdelay $0x3  }
0x66: {  	s24 =	sand.u32 $0x1, s21  }
0x67: {  	p0 =	seq.s32 s24, $0x1  }
.Ltmp7:
0x68: {  	_ = 	snop;
	(pc) =	sbr.rel @p0 .LBB2_13-.Ltmp7, $2  }
0x69: {  	_ =	sdelay $0x2  }
0x6a: {  	s23 =	sor.u32 s3, s23  }
0x6b: {  	s25 =	smul.u32 $0x47AF, s23;
	_ =	sdelay $0x1  }
0x6c: {  	s25 =	sshrl.u32 s25, $0x10  }
0x6d: {  	s26 =	ssub.s32 s23, s25  }
0x6e: {  	s26 =	sand.u32 $0xFFFE, s26  }
0x6f: {  	s26 =	sshrl.u32 s26, $0x1  }
0x70: {  	s25 =	sadd.s32 s25, s26  }
0x71: {  	s25 =	sand.u32 $0xFFF0, s25  }
0x72: {  	s25 =	sshrl.u32 s25, $0x4  }
0x73: {  	s25 =	smul.u32 $0x19, s25;
	_ =	sdelay $0x1  }
0x74: {  	s25 =	ssub.s32 s23, s25  }
0x75: {  	s25 =	smul.u32 $0x28, s25  }
0x76: {  	_ =	swait.ge [sflag:s19], $0xA000  }
0x77: {  	[sflag:s19] =	ssyncset.done $0x0;
	s31 =	sand.u32 $0xFFF8, s25  }
0x78: {  	[sflag:s19] =	ssyncadd.s32 $0xFFFF6000;
	s25 =	simm.s32 $0x0;
	s28 =	sadd.s32 $0x28, s31  }
0x79: {  	s26 =	simm.s32 $0x10;
	v8 =	vmov s31;
	v9 =	vld [tilespmem:s25+$0x0];
	v7 =	vmov s28;
	s28 =	simm.s32 $0x0  }
.LBB2_9:
0x7a: {  	p0 =	sne.s32 s26, $0x3F0;
	v10 =	vmov s25  }
0x7b: {  	v11 =	vor.u32 s25, v4;
	s25 =	smov.u32 s26;
	v10 =	vshll.u32 v10, $0x3  }
0x7c: {  	v11 =	vand.u32 $0x7F, v11;
	v10 =	vand.u32 $0x1C00, v10  }
0x7d: {  	v10 =	vor.u32 v10, v11  }
0x7e: {  	vm0 =	vge.s32 v9, v8;
	v11 =	vsub.s32 v9, v8;
	v12 =	vshll.u32 v9, $0x7  }
0x7f: {  	vm1 =	vlt.s32 v9, v7;
	v9 =	vshll.u32 v11, $0xA;
	v11 =	vand.u32 $0x380, v12  }
0x80: {  	vm0 =	vmand vm0, vm1;
	v9 =	vand.u32 $0xFFFFE000, v9;
	v10 =	vor.u32 v11, v10  }
0x81: {  	v9 =	vor.u32 v9, v10;
	_ =	sdelay $0x1  }
.Ltmp8:
0x82: {  	(pc) =	sbr.rel @p0 .LBB2_9-.Ltmp8, $3  }
0x83: {  	_ =	sdelay $0x1  }
0x84: {  	s28 =	sadd.s32 $0x10, s28;
	[tilespmem:v9+s13+$0x0] =	vst.idx.msk vm0, v6  }
0x85: {  	s26 =	sadd.s32 $0x10, s26;
	v9 =	vld [tilespmem:s28+$0x0]  }
0x86: {  	v10 =	vmov s25;
	s26 =	smul.u32 $0x47AF, s22  }
0x87: {  	v11 =	vor.u32 s25, v4;
	v10 =	vshll.u32 v10, $0x3  }
0x88: {  	v11 =	vand.u32 $0x7F, v11;
	v10 =	vand.u32 $0x1C00, v10;
	s31 =	sshrl.u32 s26, $0x10  }
0x89: {  	v10 =	vor.u32 v10, v11;
	s26 =	ssub.s32 s22, s31  }
0x8a: {  	vm0 =	vge.s32 v9, v8;
	v8 =	vsub.s32 v9, v8;
	v11 =	vshll.u32 v9, $0x7;
	s26 =	sand.u32 $0xFFFE, s26  }
0x8b: {  	vm1 =	vlt.s32 v9, v7;
	v7 =	vshll.u32 v8, $0xA;
	v8 =	vand.u32 $0x380, v11;
	s26 =	sshrl.u32 s26, $0x1  }
0x8c: {  	vm0 =	vmand vm0, vm1;
	v7 =	vand.u32 $0xFFFFE000, v7;
	v8 =	vor.u32 v8, v10;
	s26 =	sadd.s32 s31, s26  }
0x8d: {  	v7 =	vor.u32 v7, v8;
	s25 =	sand.u32 $0xFFF0, s26  }
0x8e: {  	s25 =	sshrl.u32 s25, $0x4  }
0x8f: {  	s28 =	smul.u32 $0x19, s25  }
0x90: {  	s29 =	sshll.u32 s26, $0x3;
	s26 =	sand.u32 $0x70, s26  }
0x91: {  	s29 =	sand.u32 $0x3C00, s29;
	s30 =	sadd.s32 s1, s26;
	s28 =	ssub.s32 s22, s28  }
0x92: {  	s29 =	sadd.s32 s29, s30;
	[tilespmem:v7+s13+$0x0] =	vst.idx.msk vm0, v6;
	s26 =	sand.u32 $0xFFFF, s28;
	s28 =	simm.s32 $0x0  }
0x93: {  	[tilespmem:s28], [sflag:$0x3] =	stream.strided.gather [hbm4b:s29+s16], $0x400, s17, s16, $0x38;
	[tilespmem:$0x14800] =	vst v63  }
0x94: {  	s29 =	smul.u32 $0x28, s26;
	_ =	swait.ge [sflag:s14], $0x400  }
0x95: {  	[sflag:s14] =	ssyncset.done $0x0  }
0x96: {  	s30 =	sadd.s32 $0x28, s29;
	[sflag:s14] =	ssyncadd.s32 $0xFFFFFC00  }
0x97: {  	v8 =	vmov s29;
	s29 =	simm.s32 $0x10;
	v7 =	vmov s30;
	s30 =	simm.s32 $0x0;
	v9 =	vld [tilespmem:s28+$0x0]  }
.LBB2_11:
0x98: {  	p0 =	sne.s32 s29, $0x3F0;
	v10 =	vmov s28  }
0x99: {  	v11 =	vor.u32 s28, v4;
	s28 =	smov.u32 s29;
	v10 =	vshll.u32 v10, $0x3  }
0x9a: {  	v11 =	vand.u32 $0x7F, v11;
	v10 =	vand.u32 $0x1C00, v10  }
0x9b: {  	v10 =	vor.u32 v10, v11  }
0x9c: {  	vm0 =	vge.s32 v9, v8;
	v11 =	vsub.s32 v9, v8;
	v12 =	vshll.u32 v9, $0x7  }
0x9d: {  	vm1 =	vlt.s32 v9, v7;
	v9 =	vshll.u32 v11, $0xA;
	v11 =	vand.u32 $0x380, v12  }
0x9e: {  	vm0 =	vmand vm0, vm1;
	v9 =	vand.u32 $0xFFFFE000, v9;
	v10 =	vor.u32 v11, v10  }
0x9f: {  	v9 =	vor.u32 v9, v10;
	_ =	sdelay $0x1  }
.Ltmp9:
0xa0: {  	(pc) =	sbr.rel @p0 .LBB2_11-.Ltmp9, $3  }
0xa1: {  	_ =	sdelay $0x1  }
0xa2: {  	s30 =	sadd.s32 $0x10, s30;
	[tilespmem:v9+s13+$0x0] =	vst.idx.msk vm0, v5  }
0xa3: {  	s29 =	sadd.s32 $0x10, s29;
	v9 =	vld [tilespmem:s30+$0x0]  }
0xa4: {  	v10 =	vmov s28  }
0xa5: {  	v11 =	vor.u32 s28, v4;
	v10 =	vshll.u32 v10, $0x3  }
0xa6: {  	v11 =	vand.u32 $0x7F, v11;
	v10 =	vand.u32 $0x1C00, v10  }
0xa7: {  	v10 =	vor.u32 v10, v11  }
0xa8: {  	vm0 =	vge.s32 v9, v8;
	v8 =	vsub.s32 v9, v8;
	v63 =	vshll.u32 v9, $0x7  }
0xa9: {  	vm1 =	vlt.s32 v9, v7;
	v7 =	vshll.u32 v8, $0xA;
	v8 =	vand.u32 $0x380, v63  }
0xaa: {  	vm0 =	vmand vm0, vm1;
	v7 =	vand.u32 $0xFFFFE000, v7;
	v8 =	vor.u32 v8, v10  }
0xab: {  	s25 =	smul.u32 $0xFA000, s25;
	v7 =	vor.u32 v7, v8  }
0xac: {  	s26 =	smul.u32 $0xA000, s26;
	p0 =	seq.s32 s24, $0x0  }
.Ltmp10:
0xad: {  	_ = 	snop;
	(pc) =	sbr.rel @p0 .LBB2_18-.Ltmp10, $4  }
0xae: {  	s25 =	sadd.s32 s26, s25  }
0xaf: {  	s25 =	sshrl.u32 s25, $0x3  }
0xb0: {  	s25 =	sadd.s32 s4, s25;
	[tilespmem:v7+s13+$0x0] =	vst.idx.msk vm0, v5  }
0xb1: {  	[hbm4b:s25+s5] =	stream.linear.scatter [tilespmem:s13], [sflag:$0x1], $0xA000, $0x38;
	[tilespmem:$0x14800] =	vst v63  }
.LBB2_13:
0xb2: {  	s24 =	smulhi.u32 $0x51EB851F, s23;
	_ =	sdelay $0x1  }
0xb3: {  	s24 =	sshrl.u32 s24, $0x3  }
0xb4: {  	s24 =	smul.u32 $0x19, s24;
	_ =	sdelay $0x1  }
0xb5: {  	s31 =	ssub.s32 s23, s24  }
0xb6: {  	_ =	swait.ge [sflag:s18], $0xA000;
	s24 =	smul.u32 $0x28, s31  }
0xb7: {  	[sflag:s18] =	ssyncset.done $0x0  }
0xb8: {  	[sflag:s18] =	ssyncadd.s32 $0xFFFF6000;
	s23 =	simm.s32 $0x400;
	s25 =	sadd.s32 $0x28, s24  }
0xb9: {  	v9 =	vld [tilespmem:s23+$0x0];
	v8 =	vmov s24;
	s24 =	simm.s32 $0x0;
	v7 =	vmov s25;
	s25 =	simm.s32 $0x10  }
.LBB2_14:
0xba: {  	p0 =	sne.s32 s25, $0x3F0;
	v10 =	vmov s24  }
0xbb: {  	v11 =	vor.u32 s24, v4;
	s24 =	smov.u32 s25;
	v10 =	vshll.u32 v10, $0x3  }
0xbc: {  	v11 =	vand.u32 $0x7F, v11;
	v10 =	vand.u32 $0x1C00, v10  }
0xbd: {  	v10 =	vor.u32 v10, v11  }
0xbe: {  	vm0 =	vge.s32 v9, v8;
	v11 =	vsub.s32 v9, v8;
	v12 =	vshll.u32 v9, $0x7  }
0xbf: {  	vm1 =	vlt.s32 v9, v7;
	v9 =	vshll.u32 v11, $0xA;
	v11 =	vand.u32 $0x380, v12  }
0xc0: {  	vm0 =	vmand vm0, vm1;
	v9 =	vand.u32 $0xFFFFE000, v9;
	v10 =	vor.u32 v11, v10  }
0xc1: {  	v9 =	vor.u32 v9, v10;
	_ =	sdelay $0x1  }
.Ltmp11:
0xc2: {  	(pc) =	sbr.rel @p0 .LBB2_14-.Ltmp11, $3  }
0xc3: {  	_ =	sdelay $0x1  }
0xc4: {  	s23 =	sadd.s32 $0x10, s23;
	[tilespmem:v9+s15+$0x0] =	vst.idx.msk vm0, v6  }
0xc5: {  	s25 =	sadd.s32 $0x10, s25;
	v9 =	vld [tilespmem:s23+$0x0]  }
0xc6: {  	v10 =	vmov s24;
	s23 =	smul.u32 $0x47AF, s22  }
0xc7: {  	v11 =	vor.u32 s24, v4;
	v10 =	vshll.u32 v10, $0x3  }
0xc8: {  	v11 =	vand.u32 $0x7F, v11;
	v10 =	vand.u32 $0x1C00, v10;
	s23 =	sshrl.u32 s23, $0x10  }
0xc9: {  	v10 =	vor.u32 v10, v11;
	s26 =	ssub.s32 s22, s23  }
0xca: {  	vm0 =	vge.s32 v9, v8;
	v8 =	vsub.s32 v9, v8;
	v11 =	vshll.u32 v9, $0x7;
	s24 =	sand.u32 $0xFFFE, s26  }
0xcb: {  	vm1 =	vlt.s32 v9, v7;
	v7 =	vshll.u32 v8, $0xA;
	v8 =	vand.u32 $0x380, v11;
	s24 =	sshrl.u32 s24, $0x1  }
0xcc: {  	vm0 =	vmand vm0, vm1;
	v7 =	vand.u32 $0xFFFFE000, v7;
	v8 =	vor.u32 v8, v10;
	s24 =	sadd.s32 s23, s24  }
0xcd: {  	v7 =	vor.u32 v7, v8;
	s23 =	sand.u32 $0xFFF0, s24  }
0xce: {  	s23 =	sshrl.u32 s23, $0x4  }
0xcf: {  	s25 =	smul.u32 $0x19, s23  }
0xd0: {  	s26 =	sshll.u32 s24, $0x3;
	s24 =	sand.u32 $0x70, s24  }
0xd1: {  	s26 =	sand.u32 $0x3C00, s26;
	s24 =	sadd.s32 s1, s24;
	s28 =	ssub.s32 s22, s25  }
0xd2: {  	s29 =	sadd.s32 s26, s24;
	s24 =	simm.s32 $0x400;
	[tilespmem:v7+s15+$0x0] =	vst.idx.msk vm0, v6;
	s22 =	sand.u32 $0xFFFF, s28  }
0xd3: {  	[tilespmem:s24], [sflag:$0x3] =	stream.strided.gather [hbm4b:s29+s16], $0x400, s24, s16, $0x38;
	[tilespmem:$0x14800] =	vst v63  }
0xd4: {  	s30 =	smul.u32 $0x28, s22;
	_ =	swait.ge [sflag:s14], $0x400  }
0xd5: {  	[sflag:s14] =	ssyncset.done $0x0  }
0xd6: {  	s31 =	sadd.s32 $0x28, s30;
	[sflag:s14] =	ssyncadd.s32 $0xFFFFFC00  }
0xd7: {  	s26 =	simm.s32 $0x10;
	s25 =	simm.s32 $0x0;
	v8 =	vmov s30;
	v7 =	vmov s31;
	v9 =	vld [tilespmem:s24+$0x0]  }
.LBB2_16:
0xd8: {  	p0 =	sne.s32 s26, $0x3F0;
	v10 =	vmov s25  }
0xd9: {  	v11 =	vor.u32 s25, v4;
	s25 =	smov.u32 s26;
	v10 =	vshll.u32 v10, $0x3  }
0xda: {  	v11 =	vand.u32 $0x7F, v11;
	v10 =	vand.u32 $0x1C00, v10  }
0xdb: {  	v10 =	vor.u32 v10, v11  }
0xdc: {  	vm0 =	vge.s32 v9, v8;
	v11 =	vsub.s32 v9, v8;
	v12 =	vshll.u32 v9, $0x7  }
0xdd: {  	vm1 =	vlt.s32 v9, v7;
	v9 =	vshll.u32 v11, $0xA;
	v11 =	vand.u32 $0x380, v12  }
0xde: {  	vm0 =	vmand vm0, vm1;
	v9 =	vand.u32 $0xFFFFE000, v9;
	v10 =	vor.u32 v11, v10  }
0xdf: {  	v9 =	vor.u32 v9, v10;
	_ =	sdelay $0x1  }
.Ltmp12:
0xe0: {  	(pc) =	sbr.rel @p0 .LBB2_16-.Ltmp12, $3  }
0xe1: {  	_ =	sdelay $0x1  }
0xe2: {  	s24 =	sadd.s32 $0x10, s24;
	[tilespmem:v9+s15+$0x0] =	vst.idx.msk vm0, v5  }
0xe3: {  	s26 =	sadd.s32 $0x10, s26;
	v9 =	vld [tilespmem:s24+$0x0]  }
0xe4: {  	v10 =	vmov s25  }
0xe5: {  	v11 =	vor.u32 s25, v4;
	v10 =	vshll.u32 v10, $0x3  }
0xe6: {  	v11 =	vand.u32 $0x7F, v11;
	v10 =	vand.u32 $0x1C00, v10  }
0xe7: {  	v10 =	vor.u32 v10, v11  }
0xe8: {  	vm0 =	vge.s32 v9, v8;
	v8 =	vsub.s32 v9, v8;
	v63 =	vshll.u32 v9, $0x7  }
0xe9: {  	vm1 =	vlt.s32 v9, v7;
	v7 =	vshll.u32 v8, $0xA;
	v8 =	vand.u32 $0x380, v63  }
0xea: {  	vm0 =	vmand vm0, vm1;
	v7 =	vand.u32 $0xFFFFE000, v7;
	v8 =	vor.u32 v8, v10  }
0xeb: {  	s23 =	smul.u32 $0xFA000, s23;
	v7 =	vor.u32 v7, v8  }
0xec: {  	s22 =	smul.u32 $0xA000, s22  }
.Ltmp13:
0xed: {  	_ = 	snop;
	(pc) =	sbr.rel .LBB2_18-.Ltmp13, $4  }
0xee: {  	s22 =	sadd.s32 s22, s23  }
0xef: {  	s22 =	sshrl.u32 s22, $0x3  }
0xf0: {  	s22 =	sadd.s32 s4, s22;
	[tilespmem:v7+s15+$0x0] =	vst.idx.msk vm0, v5  }
0xf1: {  	[hbm4b:s22+s5] =	stream.linear.scatter [tilespmem:s15], [sflag:$0x2], $0xA000, $0x38;
	[tilespmem:$0x14800] =	vst v63  }
.LBB2_20:
0xf2: {  	_ =	sfence.sel $0x180000  }
0xf3: {  	[bflag:$0x0] =	sbarrier.arrive $0xFFFF  }
0xf4: {  	p0 =	sne.s32 s0, $0x0;
	_ =	strace $0x90000047  }
0xf5: {  	s0 =	sadd.s32 @!p0 $0x100000, s2;
	[bflag:$0x2] =	sbarrier.arrive $0xFFFF  }
0xf6: {  	[sflag:s0] =	ssyncadd.tile.s32 @!p0 $0x1;
	_ =	shalt  }
.Lfunc_end2:
_tile_overlayer_lowered:
.L_overlay_start_2:
0xf7: {  	(tag) =	ssettag $0x2  }
0xf8: {  	s0 =	rddreg [dreg:$0x0];
	s2 =	stileid.u32  }
0xf9: {  	s1 =	rddreg [dreg:$0x1];
	p0 =	sne.s32 s2, $0x0  }
0xfa: {  	s3 =	rddreg [dreg:$0x2];
	[bflag:$0x3] =	sbarrier.arrive $0xFFFF;
	s2 =	simm.s32 @!p0 $0x1C03  }
0xfb: {  	[timem:s3], [sflag:s2] =	dma.local @!p0 [hbm:s0], s1  }
0xfc: {  	s0 =	simm.s32 @!p0 $0x3  }
0xfd: {  	_ =	swait.ge @!p0 [sflag:s0], s1  }
0xfe: {  	s1 =	ssub.s32 @!p0 $0x0, s1;
	[sflag:s0] =	ssyncset.done @!p0 $0x0  }
0xff: {  	[sflag:s0] =	ssyncadd.s32 @!p0 s1  }
0x100: {  	[bflag:$0x3] =	sbarrier.arrive $0xFFFF  }
0x101: {  	_ =	shalt  }

</sc_bundles>
